<compile_context>
chip_gen: v7x
topology: tpu7x:2x2x1
jax: 0.10.2.dev20260603
libtpu: 0.0.44.dev20260713+nightly
codegen_flags: <defaults>
</compile_context>

<pallas_src>
import functools

import jax
import jax.numpy as jnp
from jax import lax
from jax.experimental import pallas as pl
from jax.experimental.pallas import tpu as pltpu
from jax.experimental.pallas import tpu_sc as plsc

N = 10000
D = 128
E = 320000
H = 256
ACT = 8

NC = 2
NS = 16
NW = NC * NS
CH = 128
EP = 10240
EPAD = NW * EP
NCH = EP // CH
NPAD = 10240
RPT = NPAD // NS
DUMMY = N + 100

def _deg_body(dst_hbm, out_hbm, dstbuf, locdeg):
    c = lax.axis_index("c")
    s = lax.axis_index("s")
    wid = s * NC + c
    zero16 = jnp.zeros((16,), jnp.float32)
    ones16 = jnp.ones((16,), jnp.float32)

    def zb(i, carry):
        locdeg[pl.ds(i * 16, 16)] = zero16
        return carry

    lax.fori_loop(0, NPAD // 16, zb, 0)
    pltpu.sync_copy(dst_hbm.at[pl.ds(wid * EP, EP)], dstbuf)

    def ab(i, carry):
        idx = dstbuf[pl.ds(i * 16, 16)]
        plsc.addupdate_scatter(locdeg, [idx], ones16)
        return carry

    lax.fori_loop(0, EP // 16, ab, 0)
    pltpu.sync_copy(locdeg, out_hbm.at[c].at[s])


NBUF = 4
HD = D // 2
EPT = EPAD // NS
NCHT = EPT // CH
NZR = NPAD // NS


def _msg_body(src_hbm, dst_hbm, z2_hbm, out_hbm, sidx, didx, rows, zsp, acc,
              gs0, gs1, gs2, gs3, ss0, ss1, ss2, ss3):
    c = lax.axis_index("c")
    s = lax.axis_index("s")
    zero16 = jnp.zeros((16,), jnp.float32)
    gsem = (gs0, gs1, gs2, gs3)
    ssem = (ss0, ss1, ss2, ss3)

    pltpu.sync_copy(z2_hbm.at[c].at[pl.ds(s * NZR, NZR)],
                    zsp.at[pl.ds(s * NZR, NZR)])

    def zb(i, carry):
        r = i // (HD // 16)
        k = i % (HD // 16)
        rows[0, r, pl.ds(k * 16, 16)] = zero16
        return carry

    lax.fori_loop(0, CH * HD // 16, zb, 0)
    for q in range(RPT // CH):
        pltpu.sync_copy(rows.at[0], acc.at[pl.ds(s * RPT + q * CH, CH)])
    plsc.subcore_barrier()

    base = s * EPT

    def load_and_gather(j, b):
        pltpu.sync_copy(src_hbm.at[pl.ds(base + j * CH, CH)], sidx.at[b])
        pltpu.sync_copy(dst_hbm.at[pl.ds(base + j * CH, CH)], didx.at[b])
        pltpu.make_async_copy(zsp.at[sidx.at[b]], rows.at[b],
                              gsem[b]).start()

    for b in range(NBUF - 1):
        load_and_gather(b, b)

    def mb(g, carry):
        for b in range(NBUF):
            j = g * NBUF + b
            b3 = (b + NBUF - 1) % NBUF
            @pl.when((j + NBUF - 1 < NCHT) & (j >= 1))
            def _drain():
                pltpu.make_async_copy(rows.at[b3], acc.at[didx.at[b3]],
                                      ssem[b3]).wait()

            @pl.when(j + NBUF - 1 < NCHT)
            def _prefetch():
                load_and_gather(j + NBUF - 1, b3)

            pltpu.make_async_copy(zsp.at[sidx.at[b]], rows.at[b],
                                  gsem[b]).wait()
            pltpu.async_copy(rows.at[b], acc.at[didx.at[b]], ssem[b],
                             add=True)
        return carry

    lax.fori_loop(0, NCHT // NBUF, mb, 0)
    for b in range(NBUF):
        pltpu.make_async_copy(rows.at[b], acc.at[didx.at[b]], ssem[b]).wait()
    plsc.subcore_barrier()
    pltpu.sync_copy(acc.at[pl.ds(s * RPT, RPT)],
                    out_hbm.at[c].at[pl.ds(s * RPT, RPT)])


@functools.cache
def _sc_kernels():
    mesh = plsc.VectorSubcoreMesh(core_axis_name="c", subcore_axis_name="s")
    cparams = pltpu.CompilerParams(needs_layout_passes=False)
    cparams_lin = pltpu.CompilerParams(needs_layout_passes=False,
                                       use_tc_tiling_on_sc=False)
    deg_kernel = pl.kernel(
        _deg_body,
        out_type=jax.ShapeDtypeStruct((NC, NS, NPAD), jnp.float32),
        mesh=mesh,
        scratch_types=[
            pltpu.VMEM((EP,), jnp.int32),
            pltpu.VMEM((NPAD,), jnp.float32),
        ],
        compiler_params=cparams,
    )
    msg_kernel = pl.kernel(
        _msg_body,
        out_type=jax.ShapeDtypeStruct((NC, NPAD, HD), jnp.float32),
        mesh=mesh,
        scratch_types=(
            [pltpu.VMEM((NBUF, CH), jnp.int32),
             pltpu.VMEM((NBUF, CH), jnp.int32),
             pltpu.VMEM((NBUF, CH, HD), jnp.float32),
             pltpu.VMEM_SHARED((NPAD, HD), jnp.float32),
             pltpu.VMEM_SHARED((NPAD, HD), jnp.float32)]
            + [pltpu.SemaphoreType.DMA] * (2 * NBUF)),
        compiler_params=cparams_lin,
    )
    return deg_kernel, msg_kernel


def _dinv_body(dp_ref, dinv_ref):
    tot = jnp.sum(dp_ref[...], axis=0, keepdims=True) + 1.0
    dinv_ref[...] = lax.rsqrt(tot)


def _dinv_call(dp):
    return pl.pallas_call(
        _dinv_body,
        out_shape=jax.ShapeDtypeStruct((1, NPAD), jnp.float32),
    )(dp)


_BM = 2048


def _xw_body(state_ref, w_ref, xw_ref):
    xw_ref[...] = jnp.dot(state_ref[...], w_ref[...],
                          preferred_element_type=jnp.float32,
                          precision=lax.Precision.HIGHEST)


def _xw_call(state, w_gcn):
    grid = (NPAD // _BM,)
    return pl.pallas_call(
        _xw_body,
        grid=grid,
        in_specs=[
            pl.BlockSpec((_BM, D), lambda i: (i, 0)),
            pl.BlockSpec((D, D), lambda i: (0, 0)),
        ],
        out_specs=pl.BlockSpec((_BM, D), lambda i: (i, 0)),
        out_shape=jax.ShapeDtypeStruct((NPAD, D), jnp.float32),
    )(state, w_gcn)


def _zscale_body(xw_ref, dinv_ref, z2_ref):
    z = xw_ref[...] * dinv_ref[...]
    z2_ref[0] = z[:, :HD]
    z2_ref[1] = z[:, HD:]


def _zscale_call(xw, dinv_col):
    grid = (NPAD // _BM,)
    return pl.pallas_call(
        _zscale_body,
        grid=grid,
        in_specs=[
            pl.BlockSpec((_BM, D), lambda i: (i, 0)),
            pl.BlockSpec((_BM, 1), lambda i: (i, 0)),
        ],
        out_specs=pl.BlockSpec((NC, _BM, HD), lambda i: (0, i, 0)),
        out_shape=jax.ShapeDtypeStruct((NC, NPAD, HD), jnp.float32),
    )(xw, dinv_col)


_BMH = 2048
_GH = _BMH // ACT


def _head_body(acc0, acc1, z0, z1, state, dinv, aflat, bg, w1, b1, w2, b2, w3,
               b3, out):
    x = jnp.concatenate([acc0[...] + z0[...], acc1[...] + z1[...]], axis=1)
    x = x * dinv[...] + bg[...]
    x = jnp.maximum(x, 0.0) + state[...]
    gi = lax.broadcasted_iota(jnp.int32, (_GH, _BMH), 0)
    ri = lax.broadcasted_iota(jnp.int32, (_GH, _BMH), 1)
    sel = (ri // ACT) == gi
    smat = jnp.where(sel, aflat[...] * 10.0, 0.0)
    y = jnp.dot(smat, x, preferred_element_type=jnp.float32, precision=lax.Precision.HIGHEST)
    h = jnp.maximum(
        jnp.dot(y, w1[...], preferred_element_type=jnp.float32, precision=lax.Precision.HIGHEST) + b1[...], 0.0)
    h = jnp.maximum(
        jnp.dot(h, w2[...], preferred_element_type=jnp.float32, precision=lax.Precision.HIGHEST) + b2[...], 0.0)
    out[...] = jnp.dot(h, w3[...], preferred_element_type=jnp.float32, precision=lax.Precision.HIGHEST) + b3[...]


def _head_call(acc0, acc1, z0, z1, state, dinv_col, aflat, b_gcn, w1, b1, w2,
               b2, w3, b3):
    grid = (NPAD // _BMH,)
    half_spec = pl.BlockSpec((_BMH, HD), lambda i: (i, 0))
    row_spec = pl.BlockSpec((_BMH, D), lambda i: (i, 0))
    return pl.pallas_call(
        _head_body,
        grid=grid,
        in_specs=[
            half_spec, half_spec, half_spec, half_spec, row_spec,
            pl.BlockSpec((_BMH, 1), lambda i: (i, 0)),
            pl.BlockSpec((1, _BMH), lambda i: (0, i)),
            pl.BlockSpec((1, D), lambda i: (0, 0)),
            pl.BlockSpec((D, H), lambda i: (0, 0)),
            pl.BlockSpec((1, H), lambda i: (0, 0)),
            pl.BlockSpec((H, H), lambda i: (0, 0)),
            pl.BlockSpec((1, H), lambda i: (0, 0)),
            pl.BlockSpec((H, 1), lambda i: (0, 0)),
            pl.BlockSpec((1, 1), lambda i: (0, 0)),
        ],
        out_specs=pl.BlockSpec((_GH, 1), lambda i: (i, 0)),
        out_shape=jax.ShapeDtypeStruct((NPAD // ACT, 1), jnp.float32),
    )(acc0, acc1, z0, z1, state, dinv_col, aflat, b_gcn, w1, b1, w2, b2, w3,
      b3)


def kernel(state, edge_index, action, W_gcn, b_gcn, W1, b1, W2, b2, W3, b3):
    src = edge_index[0]
    dst = edge_index[1]
    wpad = EP - E // NW
    src_p = jnp.concatenate(
        [src.reshape(NW, E // NW),
         jnp.zeros((NW, wpad), jnp.int32)], axis=1).reshape(-1)
    dummy_rows = jnp.broadcast_to(
        jnp.arange(N, N + wpad, dtype=jnp.int32), (NW, wpad))
    dst_p = jnp.concatenate(
        [dst.reshape(NW, E // NW), dummy_rows], axis=1).reshape(-1)

    deg_kernel, msg_kernel = _sc_kernels()
    rpad = NPAD - N
    state_p = jnp.concatenate([state, jnp.zeros((rpad, D), jnp.float32)])
    deg_parts = deg_kernel(dst_p)
    xw = _xw_call(state_p, W_gcn)
    dinv_row = _dinv_call(deg_parts.reshape(NW, NPAD))
    dinv_full = dinv_row.reshape(NPAD, 1)

    z2_p = _zscale_call(xw, dinv_full)
    accp = msg_kernel(src_p, dst_p, z2_p)

    z0_p = z2_p[0]
    z1_p = z2_p[1]
    aflat = jnp.concatenate(
        [action.reshape(1, N), jnp.zeros((1, rpad), jnp.float32)], axis=1)

    out = _head_call(
        accp[0], accp[1], z0_p, z1_p, state_p, dinv_full, aflat,
        b_gcn.reshape(1, D),
        W1, b1.reshape(1, H), W2, b2.reshape(1, H), W3, b3.reshape(1, 1))
    return out.reshape(NPAD // ACT)[:N // ACT]

# --- scband reference (transcript-rebuilt; emitter-appended) ---
"""Pipeline reference for scband-sac-47605417509069 (READ-ONLY COPY).

The authoritative reference and input builder live on the scoring server;
editing this copy changes nothing except your own understanding.
"""

import jax, jax.numpy as jnp
import numpy as np

N = 10000
E = 320000
D = 128
H = 256
ACT = 8


def setup_inputs(seed: int = 0) -> dict:
    key = jax.random.key(seed)
    ks = jax.random.split(key, 12)
    state = jax.random.normal(ks[0], (N, D), dtype=jnp.float32)
    edge_index = jax.random.randint(ks[1], (2, E), 0, N, dtype=jnp.int32)
    action = jax.random.uniform(ks[2], (N // ACT, ACT), dtype=jnp.float32)
    # GCNConv(in_channels, in_channels) parameters
    W_gcn = jax.random.normal(ks[3], (D, D), dtype=jnp.float32) * (1.0 / np.sqrt(D))
    b_gcn = jnp.zeros((D,), dtype=jnp.float32)
    # lin1: in_channels -> hidden_size
    W1 = jax.random.normal(ks[4], (D, H), dtype=jnp.float32) * (1.0 / np.sqrt(D))
    b1 = jnp.zeros((H,), dtype=jnp.float32)
    # lin2: hidden_size -> hidden_size
    W2 = jax.random.normal(ks[5], (H, H), dtype=jnp.float32) * (1.0 / np.sqrt(H))
    b2 = jnp.zeros((H,), dtype=jnp.float32)
    # lin3: hidden_size -> 1
    W3 = jax.random.normal(ks[6], (H, 1), dtype=jnp.float32) * (1.0 / np.sqrt(H))
    b3 = jnp.zeros((1,), dtype=jnp.float32)
    return {"state": state, "edge_index": edge_index, "action": action,
            "W_gcn": W_gcn, "b_gcn": b_gcn, "W1": W1, "b1": b1,
            "W2": W2, "b2": b2, "W3": W3, "b3": b3}


def _gcn_conv(x, edge_index, W, b):
    # PyG GCNConv: add self-loops, symmetric normalization D^{-1/2} A D^{-1/2}, x @ W, scatter-add, + bias
    src = edge_index[0]
    dst = edge_index[1]
    loop = jnp.arange(N, dtype=src.dtype)
    src = jnp.concatenate([src, loop])
    dst = jnp.concatenate([dst, loop])
    deg = jnp.zeros((N,), dtype=jnp.float32).at[dst].add(1.0)
    dinv = jnp.where(deg > 0, deg ** -0.5, 0.0)
    norm = dinv[src] * dinv[dst]
    xw = x @ W
    msg = xw[src] * norm[:, None]
    out = jnp.zeros_like(xw).at[dst].add(msg)
    return out + b


def reference(state, edge_index, action, W_gcn, b_gcn, W1, b1, W2, b2, W3, b3):
    # GNNCritic1.forward
    out = jax.nn.relu(_gcn_conv(state, edge_index, W_gcn, b_gcn))
    x = out + state
    x = x.reshape(-1, ACT, D)
    a = (action * 10.0)[:, :, None]
    x = x * a
    x = x.sum(axis=1)
    x = jax.nn.relu(x @ W1 + b1)
    x = jax.nn.relu(x @ W2 + b2)
    x = (x @ W3 + b3).squeeze(-1)
    return x

if __name__ == "__main__":
    import jax
    _d = setup_inputs()
    print(jax.jit(kernel)(*tuple(_d.values())))

</pallas_src>

<mosaic_0001>
#map = affine_map<(d0, d1) -> (0)>
#map1 = affine_map<(d0, d1) -> (0, 0, 0)>
module attributes {stable_mosaic.version = 14 : i64} {
  func.func @_deg_body(%arg0: i32, %arg1: i32, %arg2: memref<327680xi32, #tpu.memory_space<hbm>>, %arg3: memref<2x16x10240xf32, #tpu.memory_space<hbm>>, %arg4: memref<10240xi32, #tpu.memory_space<vmem>>, %arg5: memref<10240xf32, #tpu.memory_space<vmem>>) attributes {dimension_semantics = [#tpu.dimension_semantics<core_parallel>, #tpu.dimension_semantics<subcore_parallel>], iteration_bounds = array<i64: 2, 16>, scalar_prefetch = 0 : i64, scratch_operands = 2 : i64, tpu.core_type = #tpu.core_type<sc_vector_subcore>, window_params = [{transform_indices = #map}, {transform_indices = #map1}]} {
    %mul3A = arith.constant 2 : i32
    %mul3A_0 = arith.muli %arg1, %mul3A : i32
    %add3A = arith.addi %mul3A_0, %arg0 : i32
    %broadcast_in_dim3A = arith.constant 0.000000e+00 : f32
    %broadcast_in_dim3A_1 = vector.broadcast %broadcast_in_dim3A : f32 to vector<16xf32>
    %broadcast_in_dim3A_2 = arith.constant 1.000000e+00 : f32
    %broadcast_in_dim3A_3 = vector.broadcast %broadcast_in_dim3A_2 : f32 to vector<16xf32>
    %scan3A = arith.constant 0 : i32
    %scan3A_4 = arith.constant 0 : i32
    %scan3A_5 = arith.constant 640 : i32
    %scan3A_6 = arith.addi %scan3A_4, %scan3A_5 : i32
    %scan3A_7 = arith.constant 1 : i32
    scf.for %scan3A_17 = %scan3A_4 to %scan3A_6 step %scan3A_7  : i32 {
      %mul3A_18 = arith.constant 16 : i32
      %mul3A_19 = arith.muli %scan3A_17, %mul3A_18 : i32
      %swap3A = arith.index_cast %mul3A_19 : i32 to index
      %swap3A_20 = tpu.vector_load %arg5[%swap3A] {strides = array<i32>} : memref<10240xf32, #tpu.memory_space<vmem>>, vector<16xf32>,
      tpu.vector_store %arg5[%swap3A], %broadcast_in_dim3A_1 {strides = array<i32>} : memref<10240xf32, #tpu.memory_space<vmem>>, vector<16xf32>,
    }
    %scan3A_8 = arith.constant 640 : i32
    %mul3A_9 = arith.constant 10240 : i32
    %mul3A_10 = arith.muli %add3A, %mul3A_9 : i32
    "tpu.region"() ({
      %run_scoped3A = tpu.sem_alloc : memref<!tpu.dma_semaphore, #tpu.memory_space<semaphore_mem>>
      %dma_start3A = tpu.memref_slice %arg2[%mul3A_10] : memref<327680xi32, #tpu.memory_space<hbm>> -> memref<10240xi32, #tpu.memory_space<hbm>>
      %dma_start3A_17 = tpu.memref_slice %arg2[%mul3A_10] : memref<327680xi32, #tpu.memory_space<hbm>> -> memref<10240xi32, #tpu.memory_space<hbm>>
      tpu.enqueue_dma source(%dma_start3A_17 : memref<10240xi32, #tpu.memory_space<hbm>>) target(%arg4 : memref<10240xi32, #tpu.memory_space<vmem>>) target_semaphore(%run_scoped3A : memref<!tpu.dma_semaphore, #tpu.memory_space<semaphore_mem>>)
      %dma_wait3A = tpu.memref_slice %arg2[%mul3A_10] : memref<327680xi32, #tpu.memory_space<hbm>> -> memref<10240xi32, #tpu.memory_space<hbm>>
      %dma_wait3A_18 = tpu.memref_slice %arg2[%mul3A_10] : memref<327680xi32, #tpu.memory_space<hbm>> -> memref<10240xi32, #tpu.memory_space<hbm>>
      tpu.wait_dma2 semaphore(%run_scoped3A : memref<!tpu.dma_semaphore, #tpu.memory_space<semaphore_mem>>) src(%dma_wait3A_18 : memref<10240xi32, #tpu.memory_space<hbm>>) dst(%arg4 : memref<10240xi32, #tpu.memory_space<vmem>>)
      tpu.yield
    }) : () -> ()
    %scan3A_11 = arith.constant 0 : i32
    %scan3A_12 = arith.constant 0 : i32
    %scan3A_13 = arith.constant 640 : i32
    %scan3A_14 = arith.addi %scan3A_12, %scan3A_13 : i32
    %scan3A_15 = arith.constant 1 : i32
    scf.for %scan3A_17 = %scan3A_12 to %scan3A_14 step %scan3A_15  : i32 {
      %mul3A_18 = arith.constant 16 : i32
      %mul3A_19 = arith.muli %scan3A_17, %mul3A_18 : i32
      %get3A = arith.index_cast %mul3A_19 : i32 to index
      %get3A_20 = tpu.vector_load %arg4[%get3A] {strides = array<i32>} : memref<10240xi32, #tpu.memory_space<vmem>>, vector<16xi32>,
      tpu.vector_store_idx %arg5[%get3A_20], %broadcast_in_dim3A_3 {add = true} : memref<10240xf32, #tpu.memory_space<vmem>>[vector<16xi32>], vector<16xf32>,
    }
    %scan3A_16 = arith.constant 640 : i32
    "tpu.region"() ({
      %run_scoped3A = tpu.sem_alloc : memref<!tpu.dma_semaphore, #tpu.memory_space<semaphore_mem>>
      %dma_start3A = arith.constant 0 : i32
      %dma_start3A_17 = arith.constant 0 : i32
      %dma_start3A_18 = tpu.memref_slice %arg3[%arg0, %dma_start3A, %dma_start3A_17] : memref<2x16x10240xf32, #tpu.memory_space<hbm>> -> memref<1x16x10240xf32, #tpu.memory_space<hbm>>
      %dma_start3A_19 = tpu.memref_squeeze %dma_start3A_18 : memref<1x16x10240xf32, #tpu.memory_space<hbm>> -> memref<16x10240xf32, #tpu.memory_space<hbm>>
      %dma_start3A_20 = arith.constant 0 : i32
      %dma_start3A_21 = tpu.memref_slice %dma_start3A_19[%arg1, %dma_start3A_20] : memref<16x10240xf32, #tpu.memory_space<hbm>> -> memref<1x10240xf32, #tpu.memory_space<hbm>>
      %dma_start3A_22 = tpu.memref_squeeze %dma_start3A_21 : memref<1x10240xf32, #tpu.memory_space<hbm>> -> memref<10240xf32, #tpu.memory_space<hbm>>
      %dma_start3A_23 = arith.constant 0 : i32
      %dma_start3A_24 = arith.constant 0 : i32
      %dma_start3A_25 = tpu.memref_slice %arg3[%arg0, %dma_start3A_23, %dma_start3A_24] : memref<2x16x10240xf32, #tpu.memory_space<hbm>> -> memref<1x16x10240xf32, #tpu.memory_space<hbm>>
      %dma_start3A_26 = tpu.memref_squeeze %dma_start3A_25 : memref<1x16x10240xf32, #tpu.memory_space<hbm>> -> memref<16x10240xf32, #tpu.memory_space<hbm>>
      %dma_start3A_27 = arith.constant 0 : i32
      %dma_start3A_28 = tpu.memref_slice %dma_start3A_26[%arg1, %dma_start3A_27] : memref<16x10240xf32, #tpu.memory_space<hbm>> -> memref<1x10240xf32, #tpu.memory_space<hbm>>
      %dma_start3A_29 = tpu.memref_squeeze %dma_start3A_28 : memref<1x10240xf32, #tpu.memory_space<hbm>> -> memref<10240xf32, #tpu.memory_space<hbm>>
      tpu.enqueue_dma source(%arg5 : memref<10240xf32, #tpu.memory_space<vmem>>) target(%dma_start3A_29 : memref<10240xf32, #tpu.memory_space<hbm>>) target_semaphore(%run_scoped3A : memref<!tpu.dma_semaphore, #tpu.memory_space<semaphore_mem>>)
      %dma_wait3A = arith.constant 0 : i32
      %dma_wait3A_30 = arith.constant 0 : i32
      %dma_wait3A_31 = tpu.memref_slice %arg3[%arg0, %dma_wait3A, %dma_wait3A_30] : memref<2x16x10240xf32, #tpu.memory_space<hbm>> -> memref<1x16x10240xf32, #tpu.memory_space<hbm>>
      %dma_wait3A_32 = tpu.memref_squeeze %dma_wait3A_31 : memref<1x16x10240xf32, #tpu.memory_space<hbm>> -> memref<16x10240xf32, #tpu.memory_space<hbm>>
      %dma_wait3A_33 = arith.constant 0 : i32
      %dma_wait3A_34 = tpu.memref_slice %dma_wait3A_32[%arg1, %dma_wait3A_33] : memref<16x10240xf32, #tpu.memory_space<hbm>> -> memref<1x10240xf32, #tpu.memory_space<hbm>>
      %dma_wait3A_35 = tpu.memref_squeeze %dma_wait3A_34 : memref<1x10240xf32, #tpu.memory_space<hbm>> -> memref<10240xf32, #tpu.memory_space<hbm>>
      %dma_wait3A_36 = arith.constant 0 : i32
      %dma_wait3A_37 = arith.constant 0 : i32
      %dma_wait3A_38 = tpu.memref_slice %arg3[%arg0, %dma_wait3A_36, %dma_wait3A_37] : memref<2x16x10240xf32, #tpu.memory_space<hbm>> -> memref<1x16x10240xf32, #tpu.memory_space<hbm>>
      %dma_wait3A_39 = tpu.memref_squeeze %dma_wait3A_38 : memref<1x16x10240xf32, #tpu.memory_space<hbm>> -> memref<16x10240xf32, #tpu.memory_space<hbm>>
      %dma_wait3A_40 = arith.constant 0 : i32
      %dma_wait3A_41 = tpu.memref_slice %dma_wait3A_39[%arg1, %dma_wait3A_40] : memref<16x10240xf32, #tpu.memory_space<hbm>> -> memref<1x10240xf32, #tpu.memory_space<hbm>>
      %dma_wait3A_42 = tpu.memref_squeeze %dma_wait3A_41 : memref<1x10240xf32, #tpu.memory_space<hbm>> -> memref<10240xf32, #tpu.memory_space<hbm>>
      tpu.wait_dma2 semaphore(%run_scoped3A : memref<!tpu.dma_semaphore, #tpu.memory_space<semaphore_mem>>) src(%arg5 : memref<10240xf32, #tpu.memory_space<vmem>>) dst(%dma_wait3A_42 : memref<10240xf32, #tpu.memory_space<hbm>>)
      tpu.yield
    }) : () -> ()
    return
  }
}

#map = affine_map<(d0, d1) -> (0)>
#map1 = affine_map<(d0, d1) -> (0, 0, 0)>
module attributes {stable_mosaic.version = 14 : i64} {
  func.func @_msg_body(%arg0: i32, %arg1: i32, %arg2: memref<327680xi32, #tpu.memory_space<hbm>>, %arg3: memref<327680xi32, #tpu.memory_space<hbm>>, %arg4: memref<2x10240x64xf32, #tpu.memory_space<hbm>>, %arg5: memref<2x10240x64xf32, #tpu.memory_space<hbm>>, %arg6: memref<4x128xi32, #tpu.memory_space<vmem>>, %arg7: memref<4x128xi32, #tpu.memory_space<vmem>>, %arg8: memref<4x128x64xf32, #tpu.memory_space<vmem>>, %arg9: memref<10240x64xf32, #tpu.memory_space<vmem_shared>>, %arg10: memref<10240x64xf32, #tpu.memory_space<vmem_shared>>, %arg11: memref<!tpu.dma_semaphore, #tpu.memory_space<semaphore_mem>>, %arg12: memref<!tpu.dma_semaphore, #tpu.memory_space<semaphore_mem>>, %arg13: memref<!tpu.dma_semaphore, #tpu.memory_space<semaphore_mem>>, %arg14: memref<!tpu.dma_semaphore, #tpu.memory_space<semaphore_mem>>, %arg15: memref<!tpu.dma_semaphore, #tpu.memory_space<semaphore_mem>>, %arg16: memref<!tpu.dma_semaphore, #tpu.memory_space<semaphore_mem>>, %arg17: memref<!tpu.dma_semaphore, #tpu.memory_space<semaphore_mem>>, %arg18: memref<!tpu.dma_semaphore, #tpu.memory_space<semaphore_mem>>) attributes {dimension_semantics = [#tpu.dimension_semantics<core_parallel>, #tpu.dimension_semantics<subcore_parallel>], iteration_bounds = array<i64: 2, 16>, scalar_prefetch = 0 : i64, scratch_operands = 13 : i64, tpu.core_type = #tpu.core_type<sc_vector_subcore>, window_params = [{transform_indices = #map}, {transform_indices = #map}, {transform_indices = #map1}, {transform_indices = #map1}]} {
    %broadcast_in_dim3A = arith.constant 0.000000e+00 : f32
    %broadcast_in_dim3A_0 = vector.broadcast %broadcast_in_dim3A : f32 to vector<16xf32>
    %mul3A = arith.constant 640 : i32
    %mul3A_1 = arith.muli %arg1, %mul3A : i32
    %mul3A_2 = arith.constant 640 : i32
    %mul3A_3 = arith.muli %arg1, %mul3A_2 : i32
    "tpu.region"() ({
      %run_scoped3A_145 = tpu.sem_alloc : memref<!tpu.dma_semaphore, #tpu.memory_space<semaphore_mem>>
      %dma_start3A_146 = arith.constant 0 : i32
      %dma_start3A_147 = tpu.memref_slice %arg9[%mul3A_3, %dma_start3A_146] : memref<10240x64xf32, #tpu.memory_space<vmem_shared>> -> memref<640x64xf32, #tpu.memory_space<vmem_shared>>
      %dma_start3A_148 = arith.constant 0 : i32
      %dma_start3A_149 = arith.constant 0 : i32
      %dma_start3A_150 = tpu.memref_slice %arg4[%arg0, %dma_start3A_148, %dma_start3A_149] : memref<2x10240x64xf32, #tpu.memory_space<hbm>> -> memref<1x10240x64xf32, #tpu.memory_space<hbm>>
      %dma_start3A_151 = tpu.memref_squeeze %dma_start3A_150 : memref<1x10240x64xf32, #tpu.memory_space<hbm>> -> memref<10240x64xf32, #tpu.memory_space<hbm>>
      %dma_start3A_152 = arith.constant 0 : i32
      %dma_start3A_153 = tpu.memref_slice %dma_start3A_151[%mul3A_1, %dma_start3A_152] : memref<10240x64xf32, #tpu.memory_space<hbm>> -> memref<640x64xf32, #tpu.memory_space<hbm>>
      tpu.enqueue_dma source(%dma_start3A_153 : memref<640x64xf32, #tpu.memory_space<hbm>>) target(%dma_start3A_147 : memref<640x64xf32, #tpu.memory_space<vmem_shared>>) target_semaphore(%run_scoped3A_145 : memref<!tpu.dma_semaphore, #tpu.memory_space<semaphore_mem>>)
      %dma_wait3A_154 = arith.constant 0 : i32
      %dma_wait3A_155 = tpu.memref_slice %arg9[%mul3A_3, %dma_wait3A_154] : memref<10240x64xf32, #tpu.memory_space<vmem_shared>> -> memref<640x64xf32, #tpu.memory_space<vmem_shared>>
      %dma_wait3A_156 = arith.constant 0 : i32
      %dma_wait3A_157 = arith.constant 0 : i32
      %dma_wait3A_158 = tpu.memref_slice %arg4[%arg0, %dma_wait3A_156, %dma_wait3A_157] : memref<2x10240x64xf32, #tpu.memory_space<hbm>> -> memref<1x10240x64xf32, #tpu.memory_space<hbm>>
      %dma_wait3A_159 = tpu.memref_squeeze %dma_wait3A_158 : memref<1x10240x64xf32, #tpu.memory_space<hbm>> -> memref<10240x64xf32, #tpu.memory_space<hbm>>
      %dma_wait3A_160 = arith.constant 0 : i32
      %dma_wait3A_161 = tpu.memref_slice %dma_wait3A_159[%mul3A_1, %dma_wait3A_160] : memref<10240x64xf32, #tpu.memory_space<hbm>> -> memref<640x64xf32, #tpu.memory_space<hbm>>
      tpu.wait_dma2 semaphore(%run_scoped3A_145 : memref<!tpu.dma_semaphore, #tpu.memory_space<semaphore_mem>>) src(%dma_wait3A_161 : memref<640x64xf32, #tpu.memory_space<hbm>>) dst(%dma_wait3A_155 : memref<640x64xf32, #tpu.memory_space<vmem_shared>>)
      tpu.yield
    }) : () -> ()
    %scan3A = arith.constant 0 : i32
    %scan3A_4 = arith.constant 0 : i32
    %scan3A_5 = arith.constant 512 : i32
    %scan3A_6 = arith.addi %scan3A_4, %scan3A_5 : i32
    %scan3A_7 = arith.constant 1 : i32
    scf.for %scan3A_145 = %scan3A_4 to %scan3A_6 step %scan3A_7  : i32 {
      %jit3A = arith.constant 4 : i32
      %div3A = arith.divsi %scan3A_145, %jit3A : i32
      %sign3A = arith.constant 0 : i32
      %sign3A_146 = arith.cmpi sgt, %scan3A_145, %sign3A : i32
      %sign3A_147 = arith.extui %sign3A_146 : i1 to i32
      %sign3A_148 = arith.constant 0 : i32
      %sign3A_149 = arith.cmpi slt, %scan3A_145, %sign3A_148 : i32
      %sign3A_150 = arith.extui %sign3A_149 : i1 to i32
      %sign3A_151 = arith.subi %sign3A_147, %sign3A_150 : i32
      %sign3A_152 = arith.constant 0 : i32
      %sign3A_153 = arith.cmpi sgt, %jit3A, %sign3A_152 : i32
      %sign3A_154 = arith.extui %sign3A_153 : i1 to i32
      %sign3A_155 = arith.constant 0 : i32
      %sign3A_156 = arith.cmpi slt, %jit3A, %sign3A_155 : i32
      %sign3A_157 = arith.extui %sign3A_156 : i1 to i32
      %sign3A_158 = arith.subi %sign3A_154, %sign3A_157 : i32
      %ne3A = arith.cmpi ne, %sign3A_151, %sign3A_158 : i32
      %rem3A = arith.remsi %scan3A_145, %jit3A : i32
      %ne3A_159 = arith.constant 0 : i32
      %ne3A_160 = arith.cmpi ne, %rem3A, %ne3A_159 : i32
      %and3A = arith.andi %ne3A, %ne3A_160 : i1
      %sub3A = arith.constant 1 : i32
      %sub3A_161 = arith.subi %div3A, %sub3A : i32
      %select_n3A = arith.select %and3A, %sub3A_161, %div3A : i32
      %jit3A_162 = arith.constant 4 : i32
      %eq3A = arith.constant 0 : i32
      %eq3A_163 = arith.cmpi eq, %jit3A_162, %eq3A : i32
      %jit3A_164 = arith.constant 1 : i32
      %select_n3A_165 = arith.select %eq3A_163, %jit3A_164, %jit3A_162 : i32
      %rem3A_166 = arith.remsi %scan3A_145, %select_n3A_165 : i32
      %ne3A_167 = arith.constant 0 : i32
      %ne3A_168 = arith.cmpi ne, %rem3A_166, %ne3A_167 : i32
      %lt3A = arith.constant 0 : i32
      %lt3A_169 = arith.cmpi slt, %rem3A_166, %lt3A : i32
      %lt3A_170 = arith.constant 0 : i32
      %lt3A_171 = arith.cmpi slt, %select_n3A_165, %lt3A_170 : i32
      %ne3A_172 = arith.xori %lt3A_169, %lt3A_171 : i1
      %and3A_173 = arith.andi %ne3A_172, %ne3A_168 : i1
      %add3A_174 = arith.addi %rem3A_166, %select_n3A_165 : i32
      %select_n3A_175 = arith.select %and3A_173, %add3A_174, %rem3A_166 : i32
      %mul3A_176 = arith.constant 16 : i32
      %mul3A_177 = arith.muli %select_n3A_175, %mul3A_176 : i32
      %swap3A = arith.constant 0 : i32
      %swap3A_178 = arith.index_cast %swap3A : i32 to index
      %swap3A_179 = arith.index_cast %select_n3A : i32 to index
      %swap3A_180 = arith.index_cast %mul3A_177 : i32 to index
      %swap3A_181 = tpu.vector_load %arg8[%swap3A_178, %swap3A_179, %swap3A_180] {strides = array<i32>} : memref<4x128x64xf32, #tpu.memory_space<vmem>>, vector<16xf32>,
      tpu.vector_store %arg8[%swap3A_178, %swap3A_179, %swap3A_180], %broadcast_in_dim3A_0 {strides = array<i32>} : memref<4x128x64xf32, #tpu.memory_space<vmem>>, vector<16xf32>,
    }
    %scan3A_8 = arith.constant 512 : i32
    %mul3A_9 = arith.constant 640 : i32
    %mul3A_10 = arith.muli %arg1, %mul3A_9 : i32
    %add3A = arith.constant 0 : i32
    %add3A_11 = arith.addi %mul3A_10, %add3A : i32
    %run_scoped3A = arith.constant 0 : i32
    "tpu.region"() ({
      %run_scoped3A_145 = tpu.sem_alloc : memref<!tpu.dma_semaphore, #tpu.memory_space<semaphore_mem>>
      %dma_start3A_146 = arith.constant 0 : i32
      %dma_start3A_147 = arith.constant 0 : i32
      %dma_start3A_148 = tpu.memref_slice %arg8[%run_scoped3A, %dma_start3A_146, %dma_start3A_147] : memref<4x128x64xf32, #tpu.memory_space<vmem>> -> memref<1x128x64xf32, #tpu.memory_space<vmem>>
      %dma_start3A_149 = tpu.memref_squeeze %dma_start3A_148 : memref<1x128x64xf32, #tpu.memory_space<vmem>> -> memref<128x64xf32, #tpu.memory_space<vmem>>
      %dma_start3A_150 = arith.constant 0 : i32
      %dma_start3A_151 = tpu.memref_slice %arg10[%add3A_11, %dma_start3A_150] : memref<10240x64xf32, #tpu.memory_space<vmem_shared>> -> memref<128x64xf32, #tpu.memory_space<vmem_shared>>
      %dma_start3A_152 = arith.constant 0 : i32
      %dma_start3A_153 = tpu.memref_slice %arg10[%add3A_11, %dma_start3A_152] : memref<10240x64xf32, #tpu.memory_space<vmem_shared>> -> memref<128x64xf32, #tpu.memory_space<vmem_shared>>
      %dma_start3A_154 = arith.constant 0 : i32
      %dma_start3A_155 = arith.constant 0 : i32
      %dma_start3A_156 = tpu.memref_slice %arg8[%run_scoped3A, %dma_start3A_154, %dma_start3A_155] : memref<4x128x64xf32, #tpu.memory_space<vmem>> -> memref<1x128x64xf32, #tpu.memory_space<vmem>>
      %dma_start3A_157 = tpu.memref_squeeze %dma_start3A_156 : memref<1x128x64xf32, #tpu.memory_space<vmem>> -> memref<128x64xf32, #tpu.memory_space<vmem>>
      tpu.enqueue_dma source(%dma_start3A_157 : memref<128x64xf32, #tpu.memory_space<vmem>>) target(%dma_start3A_153 : memref<128x64xf32, #tpu.memory_space<vmem_shared>>) target_semaphore(%run_scoped3A_145 : memref<!tpu.dma_semaphore, #tpu.memory_space<semaphore_mem>>)
      %dma_wait3A_158 = arith.constant 0 : i32
      %dma_wait3A_159 = arith.constant 0 : i32
      %dma_wait3A_160 = tpu.memref_slice %arg8[%run_scoped3A, %dma_wait3A_158, %dma_wait3A_159] : memref<4x128x64xf32, #tpu.memory_space<vmem>> -> memref<1x128x64xf32, #tpu.memory_space<vmem>>
      %dma_wait3A_161 = tpu.memref_squeeze %dma_wait3A_160 : memref<1x128x64xf32, #tpu.memory_space<vmem>> -> memref<128x64xf32, #tpu.memory_space<vmem>>
      %dma_wait3A_162 = arith.constant 0 : i32
      %dma_wait3A_163 = tpu.memref_slice %arg10[%add3A_11, %dma_wait3A_162] : memref<10240x64xf32, #tpu.memory_space<vmem_shared>> -> memref<128x64xf32, #tpu.memory_space<vmem_shared>>
      %dma_wait3A_164 = arith.constant 0 : i32
      %dma_wait3A_165 = tpu.memref_slice %arg10[%add3A_11, %dma_wait3A_164] : memref<10240x64xf32, #tpu.memory_space<vmem_shared>> -> memref<128x64xf32, #tpu.memory_space<vmem_shared>>
      %dma_wait3A_166 = arith.constant 0 : i32
      %dma_wait3A_167 = arith.constant 0 : i32
      %dma_wait3A_168 = tpu.memref_slice %arg8[%run_scoped3A, %dma_wait3A_166, %dma_wait3A_167] : memref<4x128x64xf32, #tpu.memory_space<vmem>> -> memref<1x128x64xf32, #tpu.memory_space<vmem>>
      %dma_wait3A_169 = tpu.memref_squeeze %dma_wait3A_168 : memref<1x128x64xf32, #tpu.memory_space<vmem>> -> memref<128x64xf32, #tpu.memory_space<vmem>>
      tpu.wait_dma2 semaphore(%run_scoped3A_145 : memref<!tpu.dma_semaphore, #tpu.memory_space<semaphore_mem>>) src(%dma_wait3A_169 : memref<128x64xf32, #tpu.memory_space<vmem>>) dst(%dma_wait3A_165 : memref<128x64xf32, #tpu.memory_space<vmem_shared>>)
      tpu.yield
    }) : () -> ()
    %mul3A_12 = arith.constant 640 : i32
    %mul3A_13 = arith.muli %arg1, %mul3A_12 : i32
    %add3A_14 = arith.constant 128 : i32
    %add3A_15 = arith.addi %mul3A_13, %add3A_14 : i32
    %run_scoped3A_16 = arith.constant 0 : i32
    "tpu.region"() ({
      %run_scoped3A_145 = tpu.sem_alloc : memref<!tpu.dma_semaphore, #tpu.memory_space<semaphore_mem>>
      %dma_start3A_146 = arith.constant 0 : i32
      %dma_start3A_147 = arith.constant 0 : i32
      %dma_start3A_148 = tpu.memref_slice %arg8[%run_scoped3A_16, %dma_start3A_146, %dma_start3A_147] : memref<4x128x64xf32, #tpu.memory_space<vmem>> -> memref<1x128x64xf32, #tpu.memory_space<vmem>>
      %dma_start3A_149 = tpu.memref_squeeze %dma_start3A_148 : memref<1x128x64xf32, #tpu.memory_space<vmem>> -> memref<128x64xf32, #tpu.memory_space<vmem>>
      %dma_start3A_150 = arith.constant 0 : i32
      %dma_start3A_151 = tpu.memref_slice %arg10[%add3A_15, %dma_start3A_150] : memref<10240x64xf32, #tpu.memory_space<vmem_shared>> -> memref<128x64xf32, #tpu.memory_space<vmem_shared>>
      %dma_start3A_152 = arith.constant 0 : i32
      %dma_start3A_153 = tpu.memref_slice %arg10[%add3A_15, %dma_start3A_152] : memref<10240x64xf32, #tpu.memory_space<vmem_shared>> -> memref<128x64xf32, #tpu.memory_space<vmem_shared>>
      %dma_start3A_154 = arith.constant 0 : i32
      %dma_start3A_155 = arith.constant 0 : i32
      %dma_start3A_156 = tpu.memref_slice %arg8[%run_scoped3A_16, %dma_start3A_154, %dma_start3A_155] : memref<4x128x64xf32, #tpu.memory_space<vmem>> -> memref<1x128x64xf32, #tpu.memory_space<vmem>>
      %dma_start3A_157 = tpu.memref_squeeze %dma_start3A_156 : memref<1x128x64xf32, #tpu.memory_space<vmem>> -> memref<128x64xf32, #tpu.memory_space<vmem>>
      tpu.enqueue_dma source(%dma_start3A_157 : memref<128x64xf32, #tpu.memory_space<vmem>>) target(%dma_start3A_153 : memref<128x64xf32, #tpu.memory_space<vmem_shared>>) target_semaphore(%run_scoped3A_145 : memref<!tpu.dma_semaphore, #tpu.memory_space<semaphore_mem>>)
      %dma_wait3A_158 = arith.constant 0 : i32
      %dma_wait3A_159 = arith.constant 0 : i32
      %dma_wait3A_160 = tpu.memref_slice %arg8[%run_scoped3A_16, %dma_wait3A_158, %dma_wait3A_159] : memref<4x128x64xf32, #tpu.memory_space<vmem>> -> memref<1x128x64xf32, #tpu.memory_space<vmem>>
      %dma_wait3A_161 = tpu.memref_squeeze %dma_wait3A_160 : memref<1x128x64xf32, #tpu.memory_space<vmem>> -> memref<128x64xf32, #tpu.memory_space<vmem>>
      %dma_wait3A_162 = arith.constant 0 : i32
      %dma_wait3A_163 = tpu.memref_slice %arg10[%add3A_15, %dma_wait3A_162] : memref<10240x64xf32, #tpu.memory_space<vmem_shared>> -> memref<128x64xf32, #tpu.memory_space<vmem_shared>>
      %dma_wait3A_164 = arith.constant 0 : i32
      %dma_wait3A_165 = tpu.memref_slice %arg10[%add3A_15, %dma_wait3A_164] : memref<10240x64xf32, #tpu.memory_space<vmem_shared>> -> memref<128x64xf32, #tpu.memory_space<vmem_shared>>
      %dma_wait3A_166 = arith.constant 0 : i32
      %dma_wait3A_167 = arith.constant 0 : i32
      %dma_wait3A_168 = tpu.memref_slice %arg8[%run_scoped3A_16, %dma_wait3A_166, %dma_wait3A_167] : memref<4x128x64xf32, #tpu.memory_space<vmem>> -> memref<1x128x64xf32, #tpu.memory_space<vmem>>
      %dma_wait3A_169 = tpu.memref_squeeze %dma_wait3A_168 : memref<1x128x64xf32, #tpu.memory_space<vmem>> -> memref<128x64xf32, #tpu.memory_space<vmem>>
      tpu.wait_dma2 semaphore(%run_scoped3A_145 : memref<!tpu.dma_semaphore, #tpu.memory_space<semaphore_mem>>) src(%dma_wait3A_169 : memref<128x64xf32, #tpu.memory_space<vmem>>) dst(%dma_wait3A_165 : memref<128x64xf32, #tpu.memory_space<vmem_shared>>)
      tpu.yield
    }) : () -> ()
    %mul3A_17 = arith.constant 640 : i32
    %mul3A_18 = arith.muli %arg1, %mul3A_17 : i32
    %add3A_19 = arith.constant 256 : i32
    %add3A_20 = arith.addi %mul3A_18, %add3A_19 : i32
    %run_scoped3A_21 = arith.constant 0 : i32
    "tpu.region"() ({
      %run_scoped3A_145 = tpu.sem_alloc : memref<!tpu.dma_semaphore, #tpu.memory_space<semaphore_mem>>
      %dma_start3A_146 = arith.constant 0 : i32
      %dma_start3A_147 = arith.constant 0 : i32
      %dma_start3A_148 = tpu.memref_slice %arg8[%run_scoped3A_21, %dma_start3A_146, %dma_start3A_147] : memref<4x128x64xf32, #tpu.memory_space<vmem>> -> memref<1x128x64xf32, #tpu.memory_space<vmem>>
      %dma_start3A_149 = tpu.memref_squeeze %dma_start3A_148 : memref<1x128x64xf32, #tpu.memory_space<vmem>> -> memref<128x64xf32, #tpu.memory_space<vmem>>
      %dma_start3A_150 = arith.constant 0 : i32
      %dma_start3A_151 = tpu.memref_slice %arg10[%add3A_20, %dma_start3A_150] : memref<10240x64xf32, #tpu.memory_space<vmem_shared>> -> memref<128x64xf32, #tpu.memory_space<vmem_shared>>
      %dma_start3A_152 = arith.constant 0 : i32
      %dma_start3A_153 = tpu.memref_slice %arg10[%add3A_20, %dma_start3A_152] : memref<10240x64xf32, #tpu.memory_space<vmem_shared>> -> memref<128x64xf32, #tpu.memory_space<vmem_shared>>
      %dma_start3A_154 = arith.constant 0 : i32
      %dma_start3A_155 = arith.constant 0 : i32
      %dma_start3A_156 = tpu.memref_slice %arg8[%run_scoped3A_21, %dma_start3A_154, %dma_start3A_155] : memref<4x128x64xf32, #tpu.memory_space<vmem>> -> memref<1x128x64xf32, #tpu.memory_space<vmem>>
      %dma_start3A_157 = tpu.memref_squeeze %dma_start3A_156 : memref<1x128x64xf32, #tpu.memory_space<vmem>> -> memref<128x64xf32, #tpu.memory_space<vmem>>
      tpu.enqueue_dma source(%dma_start3A_157 : memref<128x64xf32, #tpu.memory_space<vmem>>) target(%dma_start3A_153 : memref<128x64xf32, #tpu.memory_space<vmem_shared>>) target_semaphore(%run_scoped3A_145 : memref<!tpu.dma_semaphore, #tpu.memory_space<semaphore_mem>>)
      %dma_wait3A_158 = arith.constant 0 : i32
      %dma_wait3A_159 = arith.constant 0 : i32
      %dma_wait3A_160 = tpu.memref_slice %arg8[%run_scoped3A_21, %dma_wait3A_158, %dma_wait3A_159] : memref<4x128x64xf32, #tpu.memory_space<vmem>> -> memref<1x128x64xf32, #tpu.memory_space<vmem>>
      %dma_wait3A_161 = tpu.memref_squeeze %dma_wait3A_160 : memref<1x128x64xf32, #tpu.memory_space<vmem>> -> memref<128x64xf32, #tpu.memory_space<vmem>>
      %dma_wait3A_162 = arith.constant 0 : i32
      %dma_wait3A_163 = tpu.memref_slice %arg10[%add3A_20, %dma_wait3A_162] : memref<10240x64xf32, #tpu.memory_space<vmem_shared>> -> memref<128x64xf32, #tpu.memory_space<vmem_shared>>
      %dma_wait3A_164 = arith.constant 0 : i32
      %dma_wait3A_165 = tpu.memref_slice %arg10[%add3A_20, %dma_wait3A_164] : memref<10240x64xf32, #tpu.memory_space<vmem_shared>> -> memref<128x64xf32, #tpu.memory_space<vmem_shared>>
      %dma_wait3A_166 = arith.constant 0 : i32
      %dma_wait3A_167 = arith.constant 0 : i32
      %dma_wait3A_168 = tpu.memref_slice %arg8[%run_scoped3A_21, %dma_wait3A_166, %dma_wait3A_167] : memref<4x128x64xf32, #tpu.memory_space<vmem>> -> memref<1x128x64xf32, #tpu.memory_space<vmem>>
      %dma_wait3A_169 = tpu.memref_squeeze %dma_wait3A_168 : memref<1x128x64xf32, #tpu.memory_space<vmem>> -> memref<128x64xf32, #tpu.memory_space<vmem>>
      tpu.wait_dma2 semaphore(%run_scoped3A_145 : memref<!tpu.dma_semaphore, #tpu.memory_space<semaphore_mem>>) src(%dma_wait3A_169 : memref<128x64xf32, #tpu.memory_space<vmem>>) dst(%dma_wait3A_165 : memref<128x64xf32, #tpu.memory_space<vmem_shared>>)
      tpu.yield
    }) : () -> ()
    %mul3A_22 = arith.constant 640 : i32
    %mul3A_23 = arith.muli %arg1, %mul3A_22 : i32
    %add3A_24 = arith.constant 384 : i32
    %add3A_25 = arith.addi %mul3A_23, %add3A_24 : i32
    %run_scoped3A_26 = arith.constant 0 : i32
    "tpu.region"() ({
      %run_scoped3A_145 = tpu.sem_alloc : memref<!tpu.dma_semaphore, #tpu.memory_space<semaphore_mem>>
      %dma_start3A_146 = arith.constant 0 : i32
      %dma_start3A_147 = arith.constant 0 : i32
      %dma_start3A_148 = tpu.memref_slice %arg8[%run_scoped3A_26, %dma_start3A_146, %dma_start3A_147] : memref<4x128x64xf32, #tpu.memory_space<vmem>> -> memref<1x128x64xf32, #tpu.memory_space<vmem>>
      %dma_start3A_149 = tpu.memref_squeeze %dma_start3A_148 : memref<1x128x64xf32, #tpu.memory_space<vmem>> -> memref<128x64xf32, #tpu.memory_space<vmem>>
      %dma_start3A_150 = arith.constant 0 : i32
      %dma_start3A_151 = tpu.memref_slice %arg10[%add3A_25, %dma_start3A_150] : memref<10240x64xf32, #tpu.memory_space<vmem_shared>> -> memref<128x64xf32, #tpu.memory_space<vmem_shared>>
      %dma_start3A_152 = arith.constant 0 : i32
      %dma_start3A_153 = tpu.memref_slice %arg10[%add3A_25, %dma_start3A_152] : memref<10240x64xf32, #tpu.memory_space<vmem_shared>> -> memref<128x64xf32, #tpu.memory_space<vmem_shared>>
      %dma_start3A_154 = arith.constant 0 : i32
      %dma_start3A_155 = arith.constant 0 : i32
      %dma_start3A_156 = tpu.memref_slice %arg8[%run_scoped3A_26, %dma_start3A_154, %dma_start3A_155] : memref<4x128x64xf32, #tpu.memory_space<vmem>> -> memref<1x128x64xf32, #tpu.memory_space<vmem>>
      %dma_start3A_157 = tpu.memref_squeeze %dma_start3A_156 : memref<1x128x64xf32, #tpu.memory_space<vmem>> -> memref<128x64xf32, #tpu.memory_space<vmem>>
      tpu.enqueue_dma source(%dma_start3A_157 : memref<128x64xf32, #tpu.memory_space<vmem>>) target(%dma_start3A_153 : memref<128x64xf32, #tpu.memory_space<vmem_shared>>) target_semaphore(%run_scoped3A_145 : memref<!tpu.dma_semaphore, #tpu.memory_space<semaphore_mem>>)
      %dma_wait3A_158 = arith.constant 0 : i32
      %dma_wait3A_159 = arith.constant 0 : i32
      %dma_wait3A_160 = tpu.memref_slice %arg8[%run_scoped3A_26, %dma_wait3A_158, %dma_wait3A_159] : memref<4x128x64xf32, #tpu.memory_space<vmem>> -> memref<1x128x64xf32, #tpu.memory_space<vmem>>
      %dma_wait3A_161 = tpu.memref_squeeze %dma_wait3A_160 : memref<1x128x64xf32, #tpu.memory_space<vmem>> -> memref<128x64xf32, #tpu.memory_space<vmem>>
      %dma_wait3A_162 = arith.constant 0 : i32
      %dma_wait3A_163 = tpu.memref_slice %arg10[%add3A_25, %dma_wait3A_162] : memref<10240x64xf32, #tpu.memory_space<vmem_shared>> -> memref<128x64xf32, #tpu.memory_space<vmem_shared>>
      %dma_wait3A_164 = arith.constant 0 : i32
      %dma_wait3A_165 = tpu.memref_slice %arg10[%add3A_25, %dma_wait3A_164] : memref<10240x64xf32, #tpu.memory_space<vmem_shared>> -> memref<128x64xf32, #tpu.memory_space<vmem_shared>>
      %dma_wait3A_166 = arith.constant 0 : i32
      %dma_wait3A_167 = arith.constant 0 : i32
      %dma_wait3A_168 = tpu.memref_slice %arg8[%run_scoped3A_26, %dma_wait3A_166, %dma_wait3A_167] : memref<4x128x64xf32, #tpu.memory_space<vmem>> -> memref<1x128x64xf32, #tpu.memory_space<vmem>>
      %dma_wait3A_169 = tpu.memref_squeeze %dma_wait3A_168 : memref<1x128x64xf32, #tpu.memory_space<vmem>> -> memref<128x64xf32, #tpu.memory_space<vmem>>
      tpu.wait_dma2 semaphore(%run_scoped3A_145 : memref<!tpu.dma_semaphore, #tpu.memory_space<semaphore_mem>>) src(%dma_wait3A_169 : memref<128x64xf32, #tpu.memory_space<vmem>>) dst(%dma_wait3A_165 : memref<128x64xf32, #tpu.memory_space<vmem_shared>>)
      tpu.yield
    }) : () -> ()
    %mul3A_27 = arith.constant 640 : i32
    %mul3A_28 = arith.muli %arg1, %mul3A_27 : i32
    %add3A_29 = arith.constant 512 : i32
    %add3A_30 = arith.addi %mul3A_28, %add3A_29 : i32
    %run_scoped3A_31 = arith.constant 0 : i32
    "tpu.region"() ({
      %run_scoped3A_145 = tpu.sem_alloc : memref<!tpu.dma_semaphore, #tpu.memory_space<semaphore_mem>>
      %dma_start3A_146 = arith.constant 0 : i32
      %dma_start3A_147 = arith.constant 0 : i32
      %dma_start3A_148 = tpu.memref_slice %arg8[%run_scoped3A_31, %dma_start3A_146, %dma_start3A_147] : memref<4x128x64xf32, #tpu.memory_space<vmem>> -> memref<1x128x64xf32, #tpu.memory_space<vmem>>
      %dma_start3A_149 = tpu.memref_squeeze %dma_start3A_148 : memref<1x128x64xf32, #tpu.memory_space<vmem>> -> memref<128x64xf32, #tpu.memory_space<vmem>>
      %dma_start3A_150 = arith.constant 0 : i32
      %dma_start3A_151 = tpu.memref_slice %arg10[%add3A_30, %dma_start3A_150] : memref<10240x64xf32, #tpu.memory_space<vmem_shared>> -> memref<128x64xf32, #tpu.memory_space<vmem_shared>>
      %dma_start3A_152 = arith.constant 0 : i32
      %dma_start3A_153 = tpu.memref_slice %arg10[%add3A_30, %dma_start3A_152] : memref<10240x64xf32, #tpu.memory_space<vmem_shared>> -> memref<128x64xf32, #tpu.memory_space<vmem_shared>>
      %dma_start3A_154 = arith.constant 0 : i32
      %dma_start3A_155 = arith.constant 0 : i32
      %dma_start3A_156 = tpu.memref_slice %arg8[%run_scoped3A_31, %dma_start3A_154, %dma_start3A_155] : memref<4x128x64xf32, #tpu.memory_space<vmem>> -> memref<1x128x64xf32, #tpu.memory_space<vmem>>
      %dma_start3A_157 = tpu.memref_squeeze %dma_start3A_156 : memref<1x128x64xf32, #tpu.memory_space<vmem>> -> memref<128x64xf32, #tpu.memory_space<vmem>>
      tpu.enqueue_dma source(%dma_start3A_157 : memref<128x64xf32, #tpu.memory_space<vmem>>) target(%dma_start3A_153 : memref<128x64xf32, #tpu.memory_space<vmem_shared>>) target_semaphore(%run_scoped3A_145 : memref<!tpu.dma_semaphore, #tpu.memory_space<semaphore_mem>>)
      %dma_wait3A_158 = arith.constant 0 : i32
      %dma_wait3A_159 = arith.constant 0 : i32
      %dma_wait3A_160 = tpu.memref_slice %arg8[%run_scoped3A_31, %dma_wait3A_158, %dma_wait3A_159] : memref<4x128x64xf32, #tpu.memory_space<vmem>> -> memref<1x128x64xf32, #tpu.memory_space<vmem>>
      %dma_wait3A_161 = tpu.memref_squeeze %dma_wait3A_160 : memref<1x128x64xf32, #tpu.memory_space<vmem>> -> memref<128x64xf32, #tpu.memory_space<vmem>>
      %dma_wait3A_162 = arith.constant 0 : i32
      %dma_wait3A_163 = tpu.memref_slice %arg10[%add3A_30, %dma_wait3A_162] : memref<10240x64xf32, #tpu.memory_space<vmem_shared>> -> memref<128x64xf32, #tpu.memory_space<vmem_shared>>
      %dma_wait3A_164 = arith.constant 0 : i32
      %dma_wait3A_165 = tpu.memref_slice %arg10[%add3A_30, %dma_wait3A_164] : memref<10240x64xf32, #tpu.memory_space<vmem_shared>> -> memref<128x64xf32, #tpu.memory_space<vmem_shared>>
      %dma_wait3A_166 = arith.constant 0 : i32
      %dma_wait3A_167 = arith.constant 0 : i32
      %dma_wait3A_168 = tpu.memref_slice %arg8[%run_scoped3A_31, %dma_wait3A_166, %dma_wait3A_167] : memref<4x128x64xf32, #tpu.memory_space<vmem>> -> memref<1x128x64xf32, #tpu.memory_space<vmem>>
      %dma_wait3A_169 = tpu.memref_squeeze %dma_wait3A_168 : memref<1x128x64xf32, #tpu.memory_space<vmem>> -> memref<128x64xf32, #tpu.memory_space<vmem>>
      tpu.wait_dma2 semaphore(%run_scoped3A_145 : memref<!tpu.dma_semaphore, #tpu.memory_space<semaphore_mem>>) src(%dma_wait3A_169 : memref<128x64xf32, #tpu.memory_space<vmem>>) dst(%dma_wait3A_165 : memref<128x64xf32, #tpu.memory_space<vmem_shared>>)
      tpu.yield
    }) : () -> ()
    %barrier3A = arith.constant 0 : index
    tpu.barrier barrier_id(%barrier3A)
    %mul3A_32 = arith.constant 20480 : i32
    %mul3A_33 = arith.muli %arg1, %mul3A_32 : i32
    %add3A_34 = arith.constant 0 : i32
    %add3A_35 = arith.addi %mul3A_33, %add3A_34 : i32
    %run_scoped3A_36 = arith.constant 0 : i32
    "tpu.region"() ({
      %run_scoped3A_145 = tpu.sem_alloc : memref<!tpu.dma_semaphore, #tpu.memory_space<semaphore_mem>>
      %dma_start3A_146 = arith.constant 0 : i32
      %dma_start3A_147 = tpu.memref_slice %arg6[%run_scoped3A_36, %dma_start3A_146] : memref<4x128xi32, #tpu.memory_space<vmem>> -> memref<1x128xi32, #tpu.memory_space<vmem>>
      %dma_start3A_148 = tpu.memref_squeeze %dma_start3A_147 : memref<1x128xi32, #tpu.memory_space<vmem>> -> memref<128xi32, #tpu.memory_space<vmem>>
      %dma_start3A_149 = tpu.memref_slice %arg2[%add3A_35] : memref<327680xi32, #tpu.memory_space<hbm>> -> memref<128xi32, #tpu.memory_space<hbm>>
      %dma_start3A_150 = arith.constant 0 : i32
      %dma_start3A_151 = tpu.memref_slice %arg6[%run_scoped3A_36, %dma_start3A_150] : memref<4x128xi32, #tpu.memory_space<vmem>> -> memref<1x128xi32, #tpu.memory_space<vmem>>
      %dma_start3A_152 = tpu.memref_squeeze %dma_start3A_151 : memref<1x128xi32, #tpu.memory_space<vmem>> -> memref<128xi32, #tpu.memory_space<vmem>>
      %dma_start3A_153 = tpu.memref_slice %arg2[%add3A_35] : memref<327680xi32, #tpu.memory_space<hbm>> -> memref<128xi32, #tpu.memory_space<hbm>>
      tpu.enqueue_dma source(%dma_start3A_153 : memref<128xi32, #tpu.memory_space<hbm>>) target(%dma_start3A_152 : memref<128xi32, #tpu.memory_space<vmem>>) target_semaphore(%run_scoped3A_145 : memref<!tpu.dma_semaphore, #tpu.memory_space<semaphore_mem>>)
      %dma_wait3A_154 = arith.constant 0 : i32
      %dma_wait3A_155 = tpu.memref_slice %arg6[%run_scoped3A_36, %dma_wait3A_154] : memref<4x128xi32, #tpu.memory_space<vmem>> -> memref<1x128xi32, #tpu.memory_space<vmem>>
      %dma_wait3A_156 = tpu.memref_squeeze %dma_wait3A_155 : memref<1x128xi32, #tpu.memory_space<vmem>> -> memref<128xi32, #tpu.memory_space<vmem>>
      %dma_wait3A_157 = tpu.memref_slice %arg2[%add3A_35] : memref<327680xi32, #tpu.memory_space<hbm>> -> memref<128xi32, #tpu.memory_space<hbm>>
      %dma_wait3A_158 = arith.constant 0 : i32
      %dma_wait3A_159 = tpu.memref_slice %arg6[%run_scoped3A_36, %dma_wait3A_158] : memref<4x128xi32, #tpu.memory_space<vmem>> -> memref<1x128xi32, #tpu.memory_space<vmem>>
      %dma_wait3A_160 = tpu.memref_squeeze %dma_wait3A_159 : memref<1x128xi32, #tpu.memory_space<vmem>> -> memref<128xi32, #tpu.memory_space<vmem>>
      %dma_wait3A_161 = tpu.memref_slice %arg2[%add3A_35] : memref<327680xi32, #tpu.memory_space<hbm>> -> memref<128xi32, #tpu.memory_space<hbm>>
      tpu.wait_dma2 semaphore(%run_scoped3A_145 : memref<!tpu.dma_semaphore, #tpu.memory_space<semaphore_mem>>) src(%dma_wait3A_161 : memref<128xi32, #tpu.memory_space<hbm>>) dst(%dma_wait3A_160 : memref<128xi32, #tpu.memory_space<vmem>>)
      tpu.yield
    }) : () -> ()
    %add3A_37 = arith.constant 0 : i32
    %add3A_38 = arith.addi %mul3A_33, %add3A_37 : i32
    %run_scoped3A_39 = arith.constant 0 : i32
    "tpu.region"() ({
      %run_scoped3A_145 = tpu.sem_alloc : memref<!tpu.dma_semaphore, #tpu.memory_space<semaphore_mem>>
      %dma_start3A_146 = arith.constant 0 : i32
      %dma_start3A_147 = tpu.memref_slice %arg7[%run_scoped3A_39, %dma_start3A_146] : memref<4x128xi32, #tpu.memory_space<vmem>> -> memref<1x128xi32, #tpu.memory_space<vmem>>
      %dma_start3A_148 = tpu.memref_squeeze %dma_start3A_147 : memref<1x128xi32, #tpu.memory_space<vmem>> -> memref<128xi32, #tpu.memory_space<vmem>>
      %dma_start3A_149 = tpu.memref_slice %arg3[%add3A_38] : memref<327680xi32, #tpu.memory_space<hbm>> -> memref<128xi32, #tpu.memory_space<hbm>>
      %dma_start3A_150 = arith.constant 0 : i32
      %dma_start3A_151 = tpu.memref_slice %arg7[%run_scoped3A_39, %dma_start3A_150] : memref<4x128xi32, #tpu.memory_space<vmem>> -> memref<1x128xi32, #tpu.memory_space<vmem>>
      %dma_start3A_152 = tpu.memref_squeeze %dma_start3A_151 : memref<1x128xi32, #tpu.memory_space<vmem>> -> memref<128xi32, #tpu.memory_space<vmem>>
      %dma_start3A_153 = tpu.memref_slice %arg3[%add3A_38] : memref<327680xi32, #tpu.memory_space<hbm>> -> memref<128xi32, #tpu.memory_space<hbm>>
      tpu.enqueue_dma source(%dma_start3A_153 : memref<128xi32, #tpu.memory_space<hbm>>) target(%dma_start3A_152 : memref<128xi32, #tpu.memory_space<vmem>>) target_semaphore(%run_scoped3A_145 : memref<!tpu.dma_semaphore, #tpu.memory_space<semaphore_mem>>)
      %dma_wait3A_154 = arith.constant 0 : i32
      %dma_wait3A_155 = tpu.memref_slice %arg7[%run_scoped3A_39, %dma_wait3A_154] : memref<4x128xi32, #tpu.memory_space<vmem>> -> memref<1x128xi32, #tpu.memory_space<vmem>>
      %dma_wait3A_156 = tpu.memref_squeeze %dma_wait3A_155 : memref<1x128xi32, #tpu.memory_space<vmem>> -> memref<128xi32, #tpu.memory_space<vmem>>
      %dma_wait3A_157 = tpu.memref_slice %arg3[%add3A_38] : memref<327680xi32, #tpu.memory_space<hbm>> -> memref<128xi32, #tpu.memory_space<hbm>>
      %dma_wait3A_158 = arith.constant 0 : i32
      %dma_wait3A_159 = tpu.memref_slice %arg7[%run_scoped3A_39, %dma_wait3A_158] : memref<4x128xi32, #tpu.memory_space<vmem>> -> memref<1x128xi32, #tpu.memory_space<vmem>>
      %dma_wait3A_160 = tpu.memref_squeeze %dma_wait3A_159 : memref<1x128xi32, #tpu.memory_space<vmem>> -> memref<128xi32, #tpu.memory_space<vmem>>
      %dma_wait3A_161 = tpu.memref_slice %arg3[%add3A_38] : memref<327680xi32, #tpu.memory_space<hbm>> -> memref<128xi32, #tpu.memory_space<hbm>>
      tpu.wait_dma2 semaphore(%run_scoped3A_145 : memref<!tpu.dma_semaphore, #tpu.memory_space<semaphore_mem>>) src(%dma_wait3A_161 : memref<128xi32, #tpu.memory_space<hbm>>) dst(%dma_wait3A_160 : memref<128xi32, #tpu.memory_space<vmem>>)
      tpu.yield
    }) : () -> ()
    %dma_start3A = arith.constant 0 : i32
    %dma_start3A_40 = arith.constant 0 : i32
    %dma_start3A_41 = arith.constant 0 : i32
    %dma_start3A_42 = arith.constant 0 : i32
    %dma_start3A_43 = tpu.memref_slice %arg8[%dma_start3A_40, %dma_start3A_41, %dma_start3A_42] : memref<4x128x64xf32, #tpu.memory_space<vmem>> -> memref<1x128x64xf32, #tpu.memory_space<vmem>>
    %dma_start3A_44 = tpu.memref_squeeze %dma_start3A_43 : memref<1x128x64xf32, #tpu.memory_space<vmem>> -> memref<128x64xf32, #tpu.memory_space<vmem>>
    %dma_start3A_45 = arith.constant 0 : i32
    %dma_start3A_46 = tpu.memref_slice %arg6[%dma_start3A, %dma_start3A_45] : memref<4x128xi32, #tpu.memory_space<vmem>> -> memref<1x128xi32, #tpu.memory_space<vmem>>
    %dma_start3A_47 = tpu.memref_squeeze %dma_start3A_46 : memref<1x128xi32, #tpu.memory_space<vmem>> -> memref<128xi32, #tpu.memory_space<vmem>>
    %dma_start3A_48 = arith.constant 0 : i32
    %dma_start3A_49 = arith.constant 0 : i32
    %dma_start3A_50 = tpu.memref_slice %arg9[%dma_start3A_48, %dma_start3A_49] : memref<10240x64xf32, #tpu.memory_space<vmem_shared>> -> memref<10240x64xf32, #tpu.memory_space<vmem_shared>>
    tpu.enqueue_indirect_dma source(%dma_start3A_50 : memref<10240x64xf32, #tpu.memory_space<vmem_shared>>) target(%dma_start3A_44 : memref<128x64xf32, #tpu.memory_space<vmem>>) offsets(%dma_start3A_47 : memref<128xi32, #tpu.memory_space<vmem>>) semaphore(%arg11 : memref<!tpu.dma_semaphore, #tpu.memory_space<semaphore_mem>>)
    %add3A_51 = arith.constant 128 : i32
    %add3A_52 = arith.addi %mul3A_33, %add3A_51 : i32
    %run_scoped3A_53 = arith.constant 1 : i32
    "tpu.region"() ({
      %run_scoped3A_145 = tpu.sem_alloc : memref<!tpu.dma_semaphore, #tpu.memory_space<semaphore_mem>>
      %dma_start3A_146 = arith.constant 0 : i32
      %dma_start3A_147 = tpu.memref_slice %arg6[%run_scoped3A_53, %dma_start3A_146] : memref<4x128xi32, #tpu.memory_space<vmem>> -> memref<1x128xi32, #tpu.memory_space<vmem>>
      %dma_start3A_148 = tpu.memref_squeeze %dma_start3A_147 : memref<1x128xi32, #tpu.memory_space<vmem>> -> memref<128xi32, #tpu.memory_space<vmem>>
      %dma_start3A_149 = tpu.memref_slice %arg2[%add3A_52] : memref<327680xi32, #tpu.memory_space<hbm>> -> memref<128xi32, #tpu.memory_space<hbm>>
      %dma_start3A_150 = arith.constant 0 : i32
      %dma_start3A_151 = tpu.memref_slice %arg6[%run_scoped3A_53, %dma_start3A_150] : memref<4x128xi32, #tpu.memory_space<vmem>> -> memref<1x128xi32, #tpu.memory_space<vmem>>
      %dma_start3A_152 = tpu.memref_squeeze %dma_start3A_151 : memref<1x128xi32, #tpu.memory_space<vmem>> -> memref<128xi32, #tpu.memory_space<vmem>>
      %dma_start3A_153 = tpu.memref_slice %arg2[%add3A_52] : memref<327680xi32, #tpu.memory_space<hbm>> -> memref<128xi32, #tpu.memory_space<hbm>>
      tpu.enqueue_dma source(%dma_start3A_153 : memref<128xi32, #tpu.memory_space<hbm>>) target(%dma_start3A_152 : memref<128xi32, #tpu.memory_space<vmem>>) target_semaphore(%run_scoped3A_145 : memref<!tpu.dma_semaphore, #tpu.memory_space<semaphore_mem>>)
      %dma_wait3A_154 = arith.constant 0 : i32
      %dma_wait3A_155 = tpu.memref_slice %arg6[%run_scoped3A_53, %dma_wait3A_154] : memref<4x128xi32, #tpu.memory_space<vmem>> -> memref<1x128xi32, #tpu.memory_space<vmem>>
      %dma_wait3A_156 = tpu.memref_squeeze %dma_wait3A_155 : memref<1x128xi32, #tpu.memory_space<vmem>> -> memref<128xi32, #tpu.memory_space<vmem>>
      %dma_wait3A_157 = tpu.memref_slice %arg2[%add3A_52] : memref<327680xi32, #tpu.memory_space<hbm>> -> memref<128xi32, #tpu.memory_space<hbm>>
      %dma_wait3A_158 = arith.constant 0 : i32
      %dma_wait3A_159 = tpu.memref_slice %arg6[%run_scoped3A_53, %dma_wait3A_158] : memref<4x128xi32, #tpu.memory_space<vmem>> -> memref<1x128xi32, #tpu.memory_space<vmem>>
      %dma_wait3A_160 = tpu.memref_squeeze %dma_wait3A_159 : memref<1x128xi32, #tpu.memory_space<vmem>> -> memref<128xi32, #tpu.memory_space<vmem>>
      %dma_wait3A_161 = tpu.memref_slice %arg2[%add3A_52] : memref<327680xi32, #tpu.memory_space<hbm>> -> memref<128xi32, #tpu.memory_space<hbm>>
      tpu.wait_dma2 semaphore(%run_scoped3A_145 : memref<!tpu.dma_semaphore, #tpu.memory_space<semaphore_mem>>) src(%dma_wait3A_161 : memref<128xi32, #tpu.memory_space<hbm>>) dst(%dma_wait3A_160 : memref<128xi32, #tpu.memory_space<vmem>>)
      tpu.yield
    }) : () -> ()
    %add3A_54 = arith.constant 128 : i32
    %add3A_55 = arith.addi %mul3A_33, %add3A_54 : i32
    %run_scoped3A_56 = arith.constant 1 : i32
    "tpu.region"() ({
      %run_scoped3A_145 = tpu.sem_alloc : memref<!tpu.dma_semaphore, #tpu.memory_space<semaphore_mem>>
      %dma_start3A_146 = arith.constant 0 : i32
      %dma_start3A_147 = tpu.memref_slice %arg7[%run_scoped3A_56, %dma_start3A_146] : memref<4x128xi32, #tpu.memory_space<vmem>> -> memref<1x128xi32, #tpu.memory_space<vmem>>
      %dma_start3A_148 = tpu.memref_squeeze %dma_start3A_147 : memref<1x128xi32, #tpu.memory_space<vmem>> -> memref<128xi32, #tpu.memory_space<vmem>>
      %dma_start3A_149 = tpu.memref_slice %arg3[%add3A_55] : memref<327680xi32, #tpu.memory_space<hbm>> -> memref<128xi32, #tpu.memory_space<hbm>>
      %dma_start3A_150 = arith.constant 0 : i32
      %dma_start3A_151 = tpu.memref_slice %arg7[%run_scoped3A_56, %dma_start3A_150] : memref<4x128xi32, #tpu.memory_space<vmem>> -> memref<1x128xi32, #tpu.memory_space<vmem>>
      %dma_start3A_152 = tpu.memref_squeeze %dma_start3A_151 : memref<1x128xi32, #tpu.memory_space<vmem>> -> memref<128xi32, #tpu.memory_space<vmem>>
      %dma_start3A_153 = tpu.memref_slice %arg3[%add3A_55] : memref<327680xi32, #tpu.memory_space<hbm>> -> memref<128xi32, #tpu.memory_space<hbm>>
      tpu.enqueue_dma source(%dma_start3A_153 : memref<128xi32, #tpu.memory_space<hbm>>) target(%dma_start3A_152 : memref<128xi32, #tpu.memory_space<vmem>>) target_semaphore(%run_scoped3A_145 : memref<!tpu.dma_semaphore, #tpu.memory_space<semaphore_mem>>)
      %dma_wait3A_154 = arith.constant 0 : i32
      %dma_wait3A_155 = tpu.memref_slice %arg7[%run_scoped3A_56, %dma_wait3A_154] : memref<4x128xi32, #tpu.memory_space<vmem>> -> memref<1x128xi32, #tpu.memory_space<vmem>>
      %dma_wait3A_156 = tpu.memref_squeeze %dma_wait3A_155 : memref<1x128xi32, #tpu.memory_space<vmem>> -> memref<128xi32, #tpu.memory_space<vmem>>
      %dma_wait3A_157 = tpu.memref_slice %arg3[%add3A_55] : memref<327680xi32, #tpu.memory_space<hbm>> -> memref<128xi32, #tpu.memory_space<hbm>>
      %dma_wait3A_158 = arith.constant 0 : i32
      %dma_wait3A_159 = tpu.memref_slice %arg7[%run_scoped3A_56, %dma_wait3A_158] : memref<4x128xi32, #tpu.memory_space<vmem>> -> memref<1x128xi32, #tpu.memory_space<vmem>>
      %dma_wait3A_160 = tpu.memref_squeeze %dma_wait3A_159 : memref<1x128xi32, #tpu.memory_space<vmem>> -> memref<128xi32, #tpu.memory_space<vmem>>
      %dma_wait3A_161 = tpu.memref_slice %arg3[%add3A_55] : memref<327680xi32, #tpu.memory_space<hbm>> -> memref<128xi32, #tpu.memory_space<hbm>>
      tpu.wait_dma2 semaphore(%run_scoped3A_145 : memref<!tpu.dma_semaphore, #tpu.memory_space<semaphore_mem>>) src(%dma_wait3A_161 : memref<128xi32, #tpu.memory_space<hbm>>) dst(%dma_wait3A_160 : memref<128xi32, #tpu.memory_space<vmem>>)
      tpu.yield
    }) : () -> ()
    %dma_start3A_57 = arith.constant 1 : i32
    %dma_start3A_58 = arith.constant 1 : i32
    %dma_start3A_59 = arith.constant 0 : i32
    %dma_start3A_60 = arith.constant 0 : i32
    %dma_start3A_61 = tpu.memref_slice %arg8[%dma_start3A_58, %dma_start3A_59, %dma_start3A_60] : memref<4x128x64xf32, #tpu.memory_space<vmem>> -> memref<1x128x64xf32, #tpu.memory_space<vmem>>
    %dma_start3A_62 = tpu.memref_squeeze %dma_start3A_61 : memref<1x128x64xf32, #tpu.memory_space<vmem>> -> memref<128x64xf32, #tpu.memory_space<vmem>>
    %dma_start3A_63 = arith.constant 0 : i32
    %dma_start3A_64 = tpu.memref_slice %arg6[%dma_start3A_57, %dma_start3A_63] : memref<4x128xi32, #tpu.memory_space<vmem>> -> memref<1x128xi32, #tpu.memory_space<vmem>>
    %dma_start3A_65 = tpu.memref_squeeze %dma_start3A_64 : memref<1x128xi32, #tpu.memory_space<vmem>> -> memref<128xi32, #tpu.memory_space<vmem>>
    %dma_start3A_66 = arith.constant 0 : i32
    %dma_start3A_67 = arith.constant 0 : i32
    %dma_start3A_68 = tpu.memref_slice %arg9[%dma_start3A_66, %dma_start3A_67] : memref<10240x64xf32, #tpu.memory_space<vmem_shared>> -> memref<10240x64xf32, #tpu.memory_space<vmem_shared>>
    tpu.enqueue_indirect_dma source(%dma_start3A_68 : memref<10240x64xf32, #tpu.memory_space<vmem_shared>>) target(%dma_start3A_62 : memref<128x64xf32, #tpu.memory_space<vmem>>) offsets(%dma_start3A_65 : memref<128xi32, #tpu.memory_space<vmem>>) semaphore(%arg12 : memref<!tpu.dma_semaphore, #tpu.memory_space<semaphore_mem>>)
    %add3A_69 = arith.constant 256 : i32
    %add3A_70 = arith.addi %mul3A_33, %add3A_69 : i32
    %run_scoped3A_71 = arith.constant 2 : i32
    "tpu.region"() ({
      %run_scoped3A_145 = tpu.sem_alloc : memref<!tpu.dma_semaphore, #tpu.memory_space<semaphore_mem>>
      %dma_start3A_146 = arith.constant 0 : i32
      %dma_start3A_147 = tpu.memref_slice %arg6[%run_scoped3A_71, %dma_start3A_146] : memref<4x128xi32, #tpu.memory_space<vmem>> -> memref<1x128xi32, #tpu.memory_space<vmem>>
      %dma_start3A_148 = tpu.memref_squeeze %dma_start3A_147 : memref<1x128xi32, #tpu.memory_space<vmem>> -> memref<128xi32, #tpu.memory_space<vmem>>
      %dma_start3A_149 = tpu.memref_slice %arg2[%add3A_70] : memref<327680xi32, #tpu.memory_space<hbm>> -> memref<128xi32, #tpu.memory_space<hbm>>
      %dma_start3A_150 = arith.constant 0 : i32
      %dma_start3A_151 = tpu.memref_slice %arg6[%run_scoped3A_71, %dma_start3A_150] : memref<4x128xi32, #tpu.memory_space<vmem>> -> memref<1x128xi32, #tpu.memory_space<vmem>>
      %dma_start3A_152 = tpu.memref_squeeze %dma_start3A_151 : memref<1x128xi32, #tpu.memory_space<vmem>> -> memref<128xi32, #tpu.memory_space<vmem>>
      %dma_start3A_153 = tpu.memref_slice %arg2[%add3A_70] : memref<327680xi32, #tpu.memory_space<hbm>> -> memref<128xi32, #tpu.memory_space<hbm>>
      tpu.enqueue_dma source(%dma_start3A_153 : memref<128xi32, #tpu.memory_space<hbm>>) target(%dma_start3A_152 : memref<128xi32, #tpu.memory_space<vmem>>) target_semaphore(%run_scoped3A_145 : memref<!tpu.dma_semaphore, #tpu.memory_space<semaphore_mem>>)
      %dma_wait3A_154 = arith.constant 0 : i32
      %dma_wait3A_155 = tpu.memref_slice %arg6[%run_scoped3A_71, %dma_wait3A_154] : memref<4x128xi32, #tpu.memory_space<vmem>> -> memref<1x128xi32, #tpu.memory_space<vmem>>
      %dma_wait3A_156 = tpu.memref_squeeze %dma_wait3A_155 : memref<1x128xi32, #tpu.memory_space<vmem>> -> memref<128xi32, #tpu.memory_space<vmem>>
      %dma_wait3A_157 = tpu.memref_slice %arg2[%add3A_70] : memref<327680xi32, #tpu.memory_space<hbm>> -> memref<128xi32, #tpu.memory_space<hbm>>
      %dma_wait3A_158 = arith.constant 0 : i32
      %dma_wait3A_159 = tpu.memref_slice %arg6[%run_scoped3A_71, %dma_wait3A_158] : memref<4x128xi32, #tpu.memory_space<vmem>> -> memref<1x128xi32, #tpu.memory_space<vmem>>
      %dma_wait3A_160 = tpu.memref_squeeze %dma_wait3A_159 : memref<1x128xi32, #tpu.memory_space<vmem>> -> memref<128xi32, #tpu.memory_space<vmem>>
      %dma_wait3A_161 = tpu.memref_slice %arg2[%add3A_70] : memref<327680xi32, #tpu.memory_space<hbm>> -> memref<128xi32, #tpu.memory_space<hbm>>
      tpu.wait_dma2 semaphore(%run_scoped3A_145 : memref<!tpu.dma_semaphore, #tpu.memory_space<semaphore_mem>>) src(%dma_wait3A_161 : memref<128xi32, #tpu.memory_space<hbm>>) dst(%dma_wait3A_160 : memref<128xi32, #tpu.memory_space<vmem>>)
      tpu.yield
    }) : () -> ()
    %add3A_72 = arith.constant 256 : i32
    %add3A_73 = arith.addi %mul3A_33, %add3A_72 : i32
    %run_scoped3A_74 = arith.constant 2 : i32
    "tpu.region"() ({
      %run_scoped3A_145 = tpu.sem_alloc : memref<!tpu.dma_semaphore, #tpu.memory_space<semaphore_mem>>
      %dma_start3A_146 = arith.constant 0 : i32
      %dma_start3A_147 = tpu.memref_slice %arg7[%run_scoped3A_74, %dma_start3A_146] : memref<4x128xi32, #tpu.memory_space<vmem>> -> memref<1x128xi32, #tpu.memory_space<vmem>>
      %dma_start3A_148 = tpu.memref_squeeze %dma_start3A_147 : memref<1x128xi32, #tpu.memory_space<vmem>> -> memref<128xi32, #tpu.memory_space<vmem>>
      %dma_start3A_149 = tpu.memref_slice %arg3[%add3A_73] : memref<327680xi32, #tpu.memory_space<hbm>> -> memref<128xi32, #tpu.memory_space<hbm>>
      %dma_start3A_150 = arith.constant 0 : i32
      %dma_start3A_151 = tpu.memref_slice %arg7[%run_scoped3A_74, %dma_start3A_150] : memref<4x128xi32, #tpu.memory_space<vmem>> -> memref<1x128xi32, #tpu.memory_space<vmem>>
      %dma_start3A_152 = tpu.memref_squeeze %dma_start3A_151 : memref<1x128xi32, #tpu.memory_space<vmem>> -> memref<128xi32, #tpu.memory_space<vmem>>
      %dma_start3A_153 = tpu.memref_slice %arg3[%add3A_73] : memref<327680xi32, #tpu.memory_space<hbm>> -> memref<128xi32, #tpu.memory_space<hbm>>
      tpu.enqueue_dma source(%dma_start3A_153 : memref<128xi32, #tpu.memory_space<hbm>>) target(%dma_start3A_152 : memref<128xi32, #tpu.memory_space<vmem>>) target_semaphore(%run_scoped3A_145 : memref<!tpu.dma_semaphore, #tpu.memory_space<semaphore_mem>>)
      %dma_wait3A_154 = arith.constant 0 : i32
      %dma_wait3A_155 = tpu.memref_slice %arg7[%run_scoped3A_74, %dma_wait3A_154] : memref<4x128xi32, #tpu.memory_space<vmem>> -> memref<1x128xi32, #tpu.memory_space<vmem>>
      %dma_wait3A_156 = tpu.memref_squeeze %dma_wait3A_155 : memref<1x128xi32, #tpu.memory_space<vmem>> -> memref<128xi32, #tpu.memory_space<vmem>>
      %dma_wait3A_157 = tpu.memref_slice %arg3[%add3A_73] : memref<327680xi32, #tpu.memory_space<hbm>> -> memref<128xi32, #tpu.memory_space<hbm>>
      %dma_wait3A_158 = arith.constant 0 : i32
      %dma_wait3A_159 = tpu.memref_slice %arg7[%run_scoped3A_74, %dma_wait3A_158] : memref<4x128xi32, #tpu.memory_space<vmem>> -> memref<1x128xi32, #tpu.memory_space<vmem>>
      %dma_wait3A_160 = tpu.memref_squeeze %dma_wait3A_159 : memref<1x128xi32, #tpu.memory_space<vmem>> -> memref<128xi32, #tpu.memory_space<vmem>>
      %dma_wait3A_161 = tpu.memref_slice %arg3[%add3A_73] : memref<327680xi32, #tpu.memory_space<hbm>> -> memref<128xi32, #tpu.memory_space<hbm>>
      tpu.wait_dma2 semaphore(%run_scoped3A_145 : memref<!tpu.dma_semaphore, #tpu.memory_space<semaphore_mem>>) src(%dma_wait3A_161 : memref<128xi32, #tpu.memory_space<hbm>>) dst(%dma_wait3A_160 : memref<128xi32, #tpu.memory_space<vmem>>)
      tpu.yield
    }) : () -> ()
    %dma_start3A_75 = arith.constant 2 : i32
    %dma_start3A_76 = arith.constant 2 : i32
    %dma_start3A_77 = arith.constant 0 : i32
    %dma_start3A_78 = arith.constant 0 : i32
    %dma_start3A_79 = tpu.memref_slice %arg8[%dma_start3A_76, %dma_start3A_77, %dma_start3A_78] : memref<4x128x64xf32, #tpu.memory_space<vmem>> -> memref<1x128x64xf32, #tpu.memory_space<vmem>>
    %dma_start3A_80 = tpu.memref_squeeze %dma_start3A_79 : memref<1x128x64xf32, #tpu.memory_space<vmem>> -> memref<128x64xf32, #tpu.memory_space<vmem>>
    %dma_start3A_81 = arith.constant 0 : i32
    %dma_start3A_82 = tpu.memref_slice %arg6[%dma_start3A_75, %dma_start3A_81] : memref<4x128xi32, #tpu.memory_space<vmem>> -> memref<1x128xi32, #tpu.memory_space<vmem>>
    %dma_start3A_83 = tpu.memref_squeeze %dma_start3A_82 : memref<1x128xi32, #tpu.memory_space<vmem>> -> memref<128xi32, #tpu.memory_space<vmem>>
    %dma_start3A_84 = arith.constant 0 : i32
    %dma_start3A_85 = arith.constant 0 : i32
    %dma_start3A_86 = tpu.memref_slice %arg9[%dma_start3A_84, %dma_start3A_85] : memref<10240x64xf32, #tpu.memory_space<vmem_shared>> -> memref<10240x64xf32, #tpu.memory_space<vmem_shared>>
    tpu.enqueue_indirect_dma source(%dma_start3A_86 : memref<10240x64xf32, #tpu.memory_space<vmem_shared>>) target(%dma_start3A_80 : memref<128x64xf32, #tpu.memory_space<vmem>>) offsets(%dma_start3A_83 : memref<128xi32, #tpu.memory_space<vmem>>) semaphore(%arg13 : memref<!tpu.dma_semaphore, #tpu.memory_space<semaphore_mem>>)
    %scan3A_87 = arith.constant 0 : i32
    %scan3A_88 = arith.constant 0 : i32
    %scan3A_89 = arith.constant 40 : i32
    %scan3A_90 = arith.addi %scan3A_88, %scan3A_89 : i32
    %scan3A_91 = arith.constant 1 : i32
    scf.for %scan3A_145 = %scan3A_88 to %scan3A_90 step %scan3A_91  : i32 {
      %mul3A_146 = arith.constant 4 : i32
      %mul3A_147 = arith.muli %scan3A_145, %mul3A_146 : i32
      %add3A_148 = arith.constant 0 : i32
      %add3A_149 = arith.addi %mul3A_147, %add3A_148 : i32
      %add3A_150 = arith.constant 4 : i32
      %add3A_151 = arith.addi %add3A_149, %add3A_150 : i32
      %sub3A = arith.constant 1 : i32
      %sub3A_152 = arith.subi %add3A_151, %sub3A : i32
      %lt3A = arith.constant 160 : i32
      %lt3A_153 = arith.cmpi slt, %sub3A_152, %lt3A : i32
      %ge3A = arith.constant 1 : i32
      %ge3A_154 = arith.cmpi sge, %add3A_149, %ge3A : i32
      %and3A = arith.andi %lt3A_153, %ge3A_154 : i1
      %convert_element_type3A = arith.extui %and3A : i1 to i32
      %cond3A = arith.constant 0 : i32
      %cond3A_155 = arith.cmpi ne, %convert_element_type3A, %cond3A : i32
      scf.if %cond3A_155 {
        %dma_wait3A_336 = arith.constant 3 : i32
        %dma_wait3A_337 = arith.constant 3 : i32
        %dma_wait3A_338 = arith.constant 0 : i32
        %dma_wait3A_339 = arith.constant 0 : i32
        %dma_wait3A_340 = tpu.memref_slice %arg8[%dma_wait3A_336, %dma_wait3A_338, %dma_wait3A_339] : memref<4x128x64xf32, #tpu.memory_space<vmem>> -> memref<1x128x64xf32, #tpu.memory_space<vmem>>
        %dma_wait3A_341 = tpu.memref_squeeze %dma_wait3A_340 : memref<1x128x64xf32, #tpu.memory_space<vmem>> -> memref<128x64xf32, #tpu.memory_space<vmem>>
        %dma_wait3A_342 = arith.constant 0 : i32
        %dma_wait3A_343 = tpu.memref_slice %arg7[%dma_wait3A_337, %dma_wait3A_342] : memref<4x128xi32, #tpu.memory_space<vmem>> -> memref<1x128xi32, #tpu.memory_space<vmem>>
        %dma_wait3A_344 = tpu.memref_squeeze %dma_wait3A_343 : memref<1x128xi32, #tpu.memory_space<vmem>> -> memref<128xi32, #tpu.memory_space<vmem>>
        %dma_wait3A_345 = arith.constant 0 : i32
        %dma_wait3A_346 = arith.constant 0 : i32
        %dma_wait3A_347 = tpu.memref_slice %arg10[%dma_wait3A_345, %dma_wait3A_346] : memref<10240x64xf32, #tpu.memory_space<vmem_shared>> -> memref<10240x64xf32, #tpu.memory_space<vmem_shared>>
        tpu.wait_indirect_dma semaphore(%arg18 : memref<!tpu.dma_semaphore, #tpu.memory_space<semaphore_mem>>) src(%dma_wait3A_341 : memref<128x64xf32, #tpu.memory_space<vmem>>) dst(%dma_wait3A_347 : memref<10240x64xf32, #tpu.memory_space<vmem_shared>>)
      } else {
      }
      %add3A_156 = arith.constant 4 : i32
      %add3A_157 = arith.addi %add3A_149, %add3A_156 : i32
      %sub3A_158 = arith.constant 1 : i32
      %sub3A_159 = arith.subi %add3A_157, %sub3A_158 : i32
      %lt3A_160 = arith.constant 160 : i32
      %lt3A_161 = arith.cmpi slt, %sub3A_159, %lt3A_160 : i32
      %convert_element_type3A_162 = arith.extui %lt3A_161 : i1 to i32
      %cond3A_163 = arith.constant 0 : i32
      %cond3A_164 = arith.cmpi ne, %convert_element_type3A_162, %cond3A_163 : i32
      scf.if %cond3A_164 {
        %add3A_336 = arith.constant 4 : i32
        %add3A_337 = arith.addi %add3A_149, %add3A_336 : i32
        %sub3A_338 = arith.constant 1 : i32
        %sub3A_339 = arith.subi %add3A_337, %sub3A_338 : i32
        %mul3A_340 = arith.constant 128 : i32
        %mul3A_341 = arith.muli %sub3A_339, %mul3A_340 : i32
        %add3A_342 = arith.addi %mul3A_33, %mul3A_341 : i32
        %run_scoped3A_343 = arith.constant 3 : i32
        "tpu.region"() ({
          %run_scoped3A_360 = tpu.sem_alloc : memref<!tpu.dma_semaphore, #tpu.memory_space<semaphore_mem>>
          %dma_start3A_361 = arith.constant 0 : i32
          %dma_start3A_362 = tpu.memref_slice %arg6[%run_scoped3A_343, %dma_start3A_361] : memref<4x128xi32, #tpu.memory_space<vmem>> -> memref<1x128xi32, #tpu.memory_space<vmem>>
          %dma_start3A_363 = tpu.memref_squeeze %dma_start3A_362 : memref<1x128xi32, #tpu.memory_space<vmem>> -> memref<128xi32, #tpu.memory_space<vmem>>
          %dma_start3A_364 = tpu.memref_slice %arg2[%add3A_342] : memref<327680xi32, #tpu.memory_space<hbm>> -> memref<128xi32, #tpu.memory_space<hbm>>
          %dma_start3A_365 = arith.constant 0 : i32
          %dma_start3A_366 = tpu.memref_slice %arg6[%run_scoped3A_343, %dma_start3A_365] : memref<4x128xi32, #tpu.memory_space<vmem>> -> memref<1x128xi32, #tpu.memory_space<vmem>>
          %dma_start3A_367 = tpu.memref_squeeze %dma_start3A_366 : memref<1x128xi32, #tpu.memory_space<vmem>> -> memref<128xi32, #tpu.memory_space<vmem>>
          %dma_start3A_368 = tpu.memref_slice %arg2[%add3A_342] : memref<327680xi32, #tpu.memory_space<hbm>> -> memref<128xi32, #tpu.memory_space<hbm>>
          tpu.enqueue_dma source(%dma_start3A_368 : memref<128xi32, #tpu.memory_space<hbm>>) target(%dma_start3A_367 : memref<128xi32, #tpu.memory_space<vmem>>) target_semaphore(%run_scoped3A_360 : memref<!tpu.dma_semaphore, #tpu.memory_space<semaphore_mem>>)
          %dma_wait3A_369 = arith.constant 0 : i32
          %dma_wait3A_370 = tpu.memref_slice %arg6[%run_scoped3A_343, %dma_wait3A_369] : memref<4x128xi32, #tpu.memory_space<vmem>> -> memref<1x128xi32, #tpu.memory_space<vmem>>
          %dma_wait3A_371 = tpu.memref_squeeze %dma_wait3A_370 : memref<1x128xi32, #tpu.memory_space<vmem>> -> memref<128xi32, #tpu.memory_space<vmem>>
          %dma_wait3A_372 = tpu.memref_slice %arg2[%add3A_342] : memref<327680xi32, #tpu.memory_space<hbm>> -> memref<128xi32, #tpu.memory_space<hbm>>
          %dma_wait3A_373 = arith.constant 0 : i32
          %dma_wait3A_374 = tpu.memref_slice %arg6[%run_scoped3A_343, %dma_wait3A_373] : memref<4x128xi32, #tpu.memory_space<vmem>> -> memref<1x128xi32, #tpu.memory_space<vmem>>
          %dma_wait3A_375 = tpu.memref_squeeze %dma_wait3A_374 : memref<1x128xi32, #tpu.memory_space<vmem>> -> memref<128xi32, #tpu.memory_space<vmem>>
          %dma_wait3A_376 = tpu.memref_slice %arg2[%add3A_342] : memref<327680xi32, #tpu.memory_space<hbm>> -> memref<128xi32, #tpu.memory_space<hbm>>
          tpu.wait_dma2 semaphore(%run_scoped3A_360 : memref<!tpu.dma_semaphore, #tpu.memory_space<semaphore_mem>>) src(%dma_wait3A_376 : memref<128xi32, #tpu.memory_space<hbm>>) dst(%dma_wait3A_375 : memref<128xi32, #tpu.memory_space<vmem>>)
          tpu.yield
        }) : () -> ()
        %mul3A_344 = arith.constant 128 : i32
        %mul3A_345 = arith.muli %sub3A_339, %mul3A_344 : i32
        %add3A_346 = arith.addi %mul3A_33, %mul3A_345 : i32
        %run_scoped3A_347 = arith.constant 3 : i32
        "tpu.region"() ({
          %run_scoped3A_360 = tpu.sem_alloc : memref<!tpu.dma_semaphore, #tpu.memory_space<semaphore_mem>>
          %dma_start3A_361 = arith.constant 0 : i32
          %dma_start3A_362 = tpu.memref_slice %arg7[%run_scoped3A_347, %dma_start3A_361] : memref<4x128xi32, #tpu.memory_space<vmem>> -> memref<1x128xi32, #tpu.memory_space<vmem>>
          %dma_start3A_363 = tpu.memref_squeeze %dma_start3A_362 : memref<1x128xi32, #tpu.memory_space<vmem>> -> memref<128xi32, #tpu.memory_space<vmem>>
          %dma_start3A_364 = tpu.memref_slice %arg3[%add3A_346] : memref<327680xi32, #tpu.memory_space<hbm>> -> memref<128xi32, #tpu.memory_space<hbm>>
          %dma_start3A_365 = arith.constant 0 : i32
          %dma_start3A_366 = tpu.memref_slice %arg7[%run_scoped3A_347, %dma_start3A_365] : memref<4x128xi32, #tpu.memory_space<vmem>> -> memref<1x128xi32, #tpu.memory_space<vmem>>
          %dma_start3A_367 = tpu.memref_squeeze %dma_start3A_366 : memref<1x128xi32, #tpu.memory_space<vmem>> -> memref<128xi32, #tpu.memory_space<vmem>>
          %dma_start3A_368 = tpu.memref_slice %arg3[%add3A_346] : memref<327680xi32, #tpu.memory_space<hbm>> -> memref<128xi32, #tpu.memory_space<hbm>>
          tpu.enqueue_dma source(%dma_start3A_368 : memref<128xi32, #tpu.memory_space<hbm>>) target(%dma_start3A_367 : memref<128xi32, #tpu.memory_space<vmem>>) target_semaphore(%run_scoped3A_360 : memref<!tpu.dma_semaphore, #tpu.memory_space<semaphore_mem>>)
          %dma_wait3A_369 = arith.constant 0 : i32
          %dma_wait3A_370 = tpu.memref_slice %arg7[%run_scoped3A_347, %dma_wait3A_369] : memref<4x128xi32, #tpu.memory_space<vmem>> -> memref<1x128xi32, #tpu.memory_space<vmem>>
          %dma_wait3A_371 = tpu.memref_squeeze %dma_wait3A_370 : memref<1x128xi32, #tpu.memory_space<vmem>> -> memref<128xi32, #tpu.memory_space<vmem>>
          %dma_wait3A_372 = tpu.memref_slice %arg3[%add3A_346] : memref<327680xi32, #tpu.memory_space<hbm>> -> memref<128xi32, #tpu.memory_space<hbm>>
          %dma_wait3A_373 = arith.constant 0 : i32
          %dma_wait3A_374 = tpu.memref_slice %arg7[%run_scoped3A_347, %dma_wait3A_373] : memref<4x128xi32, #tpu.memory_space<vmem>> -> memref<1x128xi32, #tpu.memory_space<vmem>>
          %dma_wait3A_375 = tpu.memref_squeeze %dma_wait3A_374 : memref<1x128xi32, #tpu.memory_space<vmem>> -> memref<128xi32, #tpu.memory_space<vmem>>
          %dma_wait3A_376 = tpu.memref_slice %arg3[%add3A_346] : memref<327680xi32, #tpu.memory_space<hbm>> -> memref<128xi32, #tpu.memory_space<hbm>>
          tpu.wait_dma2 semaphore(%run_scoped3A_360 : memref<!tpu.dma_semaphore, #tpu.memory_space<semaphore_mem>>) src(%dma_wait3A_376 : memref<128xi32, #tpu.memory_space<hbm>>) dst(%dma_wait3A_375 : memref<128xi32, #tpu.memory_space<vmem>>)
          tpu.yield
        }) : () -> ()
        %dma_start3A_348 = arith.constant 3 : i32
        %dma_start3A_349 = arith.constant 3 : i32
        %dma_start3A_350 = arith.constant 0 : i32
        %dma_start3A_351 = arith.constant 0 : i32
        %dma_start3A_352 = tpu.memref_slice %arg8[%dma_start3A_349, %dma_start3A_350, %dma_start3A_351] : memref<4x128x64xf32, #tpu.memory_space<vmem>> -> memref<1x128x64xf32, #tpu.memory_space<vmem>>
        %dma_start3A_353 = tpu.memref_squeeze %dma_start3A_352 : memref<1x128x64xf32, #tpu.memory_space<vmem>> -> memref<128x64xf32, #tpu.memory_space<vmem>>
        %dma_start3A_354 = arith.constant 0 : i32
        %dma_start3A_355 = tpu.memref_slice %arg6[%dma_start3A_348, %dma_start3A_354] : memref<4x128xi32, #tpu.memory_space<vmem>> -> memref<1x128xi32, #tpu.memory_space<vmem>>
        %dma_start3A_356 = tpu.memref_squeeze %dma_start3A_355 : memref<1x128xi32, #tpu.memory_space<vmem>> -> memref<128xi32, #tpu.memory_space<vmem>>
        %dma_start3A_357 = arith.constant 0 : i32
        %dma_start3A_358 = arith.constant 0 : i32
        %dma_start3A_359 = tpu.memref_slice %arg9[%dma_start3A_357, %dma_start3A_358] : memref<10240x64xf32, #tpu.memory_space<vmem_shared>> -> memref<10240x64xf32, #tpu.memory_space<vmem_shared>>
        tpu.enqueue_indirect_dma source(%dma_start3A_359 : memref<10240x64xf32, #tpu.memory_space<vmem_shared>>) target(%dma_start3A_353 : memref<128x64xf32, #tpu.memory_space<vmem>>) offsets(%dma_start3A_356 : memref<128xi32, #tpu.memory_space<vmem>>) semaphore(%arg14 : memref<!tpu.dma_semaphore, #tpu.memory_space<semaphore_mem>>)
      } else {
      }
      %dma_wait3A_165 = arith.constant 0 : i32
      %dma_wait3A_166 = arith.constant 0 : i32
      %dma_wait3A_167 = arith.constant 0 : i32
      %dma_wait3A_168 = arith.constant 0 : i32
      %dma_wait3A_169 = tpu.memref_slice %arg8[%dma_wait3A_166, %dma_wait3A_167, %dma_wait3A_168] : memref<4x128x64xf32, #tpu.memory_space<vmem>> -> memref<1x128x64xf32, #tpu.memory_space<vmem>>
      %dma_wait3A_170 = tpu.memref_squeeze %dma_wait3A_169 : memref<1x128x64xf32, #tpu.memory_space<vmem>> -> memref<128x64xf32, #tpu.memory_space<vmem>>
      %dma_wait3A_171 = arith.constant 0 : i32
      %dma_wait3A_172 = tpu.memref_slice %arg6[%dma_wait3A_165, %dma_wait3A_171] : memref<4x128xi32, #tpu.memory_space<vmem>> -> memref<1x128xi32, #tpu.memory_space<vmem>>
      %dma_wait3A_173 = tpu.memref_squeeze %dma_wait3A_172 : memref<1x128xi32, #tpu.memory_space<vmem>> -> memref<128xi32, #tpu.memory_space<vmem>>
      %dma_wait3A_174 = arith.constant 0 : i32
      %dma_wait3A_175 = arith.constant 0 : i32
      %dma_wait3A_176 = tpu.memref_slice %arg9[%dma_wait3A_174, %dma_wait3A_175] : memref<10240x64xf32, #tpu.memory_space<vmem_shared>> -> memref<10240x64xf32, #tpu.memory_space<vmem_shared>>
      tpu.wait_indirect_dma semaphore(%arg11 : memref<!tpu.dma_semaphore, #tpu.memory_space<semaphore_mem>>) src(%dma_wait3A_176 : memref<10240x64xf32, #tpu.memory_space<vmem_shared>>) dst(%dma_wait3A_170 : memref<128x64xf32, #tpu.memory_space<vmem>>)
      %dma_start3A_177 = arith.constant 0 : i32
      %dma_start3A_178 = arith.constant 0 : i32
      %dma_start3A_179 = arith.constant 0 : i32
      %dma_start3A_180 = arith.constant 0 : i32
      %dma_start3A_181 = tpu.memref_slice %arg8[%dma_start3A_177, %dma_start3A_179, %dma_start3A_180] : memref<4x128x64xf32, #tpu.memory_space<vmem>> -> memref<1x128x64xf32, #tpu.memory_space<vmem>>
      %dma_start3A_182 = tpu.memref_squeeze %dma_start3A_181 : memref<1x128x64xf32, #tpu.memory_space<vmem>> -> memref<128x64xf32, #tpu.memory_space<vmem>>
      %dma_start3A_183 = arith.constant 0 : i32
      %dma_start3A_184 = tpu.memref_slice %arg7[%dma_start3A_178, %dma_start3A_183] : memref<4x128xi32, #tpu.memory_space<vmem>> -> memref<1x128xi32, #tpu.memory_space<vmem>>
      %dma_start3A_185 = tpu.memref_squeeze %dma_start3A_184 : memref<1x128xi32, #tpu.memory_space<vmem>> -> memref<128xi32, #tpu.memory_space<vmem>>
      %dma_start3A_186 = arith.constant 0 : i32
      %dma_start3A_187 = arith.constant 0 : i32
      %dma_start3A_188 = tpu.memref_slice %arg10[%dma_start3A_186, %dma_start3A_187] : memref<10240x64xf32, #tpu.memory_space<vmem_shared>> -> memref<10240x64xf32, #tpu.memory_space<vmem_shared>>
      tpu.enqueue_indirect_dma source(%dma_start3A_182 : memref<128x64xf32, #tpu.memory_space<vmem>>) target(%dma_start3A_188 : memref<10240x64xf32, #tpu.memory_space<vmem_shared>>) offsets(%dma_start3A_185 : memref<128xi32, #tpu.memory_space<vmem>>) semaphore(%arg15 : memref<!tpu.dma_semaphore, #tpu.memory_space<semaphore_mem>>) {add = true}
      %mul3A_189 = arith.constant 4 : i32
      %mul3A_190 = arith.muli %scan3A_145, %mul3A_189 : i32
      %add3A_191 = arith.constant 1 : i32
      %add3A_192 = arith.addi %mul3A_190, %add3A_191 : i32
      %add3A_193 = arith.constant 4 : i32
      %add3A_194 = arith.addi %add3A_192, %add3A_193 : i32
      %sub3A_195 = arith.constant 1 : i32
      %sub3A_196 = arith.subi %add3A_194, %sub3A_195 : i32
      %lt3A_197 = arith.constant 160 : i32
      %lt3A_198 = arith.cmpi slt, %sub3A_196, %lt3A_197 : i32
      %ge3A_199 = arith.constant 1 : i32
      %ge3A_200 = arith.cmpi sge, %add3A_192, %ge3A_199 : i32
      %and3A_201 = arith.andi %lt3A_198, %ge3A_200 : i1
      %convert_element_type3A_202 = arith.extui %and3A_201 : i1 to i32
      %cond3A_203 = arith.constant 0 : i32
      %cond3A_204 = arith.cmpi ne, %convert_element_type3A_202, %cond3A_203 : i32
      scf.if %cond3A_204 {
        %dma_wait3A_336 = arith.constant 0 : i32
        %dma_wait3A_337 = arith.constant 0 : i32
        %dma_wait3A_338 = arith.constant 0 : i32
        %dma_wait3A_339 = arith.constant 0 : i32
        %dma_wait3A_340 = tpu.memref_slice %arg8[%dma_wait3A_336, %dma_wait3A_338, %dma_wait3A_339] : memref<4x128x64xf32, #tpu.memory_space<vmem>> -> memref<1x128x64xf32, #tpu.memory_space<vmem>>
        %dma_wait3A_341 = tpu.memref_squeeze %dma_wait3A_340 : memref<1x128x64xf32, #tpu.memory_space<vmem>> -> memref<128x64xf32, #tpu.memory_space<vmem>>
        %dma_wait3A_342 = arith.constant 0 : i32
        %dma_wait3A_343 = tpu.memref_slice %arg7[%dma_wait3A_337, %dma_wait3A_342] : memref<4x128xi32, #tpu.memory_space<vmem>> -> memref<1x128xi32, #tpu.memory_space<vmem>>
        %dma_wait3A_344 = tpu.memref_squeeze %dma_wait3A_343 : memref<1x128xi32, #tpu.memory_space<vmem>> -> memref<128xi32, #tpu.memory_space<vmem>>
        %dma_wait3A_345 = arith.constant 0 : i32
        %dma_wait3A_346 = arith.constant 0 : i32
        %dma_wait3A_347 = tpu.memref_slice %arg10[%dma_wait3A_345, %dma_wait3A_346] : memref<10240x64xf32, #tpu.memory_space<vmem_shared>> -> memref<10240x64xf32, #tpu.memory_space<vmem_shared>>
        tpu.wait_indirect_dma semaphore(%arg15 : memref<!tpu.dma_semaphore, #tpu.memory_space<semaphore_mem>>) src(%dma_wait3A_341 : memref<128x64xf32, #tpu.memory_space<vmem>>) dst(%dma_wait3A_347 : memref<10240x64xf32, #tpu.memory_space<vmem_shared>>)
      } else {
      }
      %add3A_205 = arith.constant 4 : i32
      %add3A_206 = arith.addi %add3A_192, %add3A_205 : i32
      %sub3A_207 = arith.constant 1 : i32
      %sub3A_208 = arith.subi %add3A_206, %sub3A_207 : i32
      %lt3A_209 = arith.constant 160 : i32
      %lt3A_210 = arith.cmpi slt, %sub3A_208, %lt3A_209 : i32
      %convert_element_type3A_211 = arith.extui %lt3A_210 : i1 to i32
      %cond3A_212 = arith.constant 0 : i32
      %cond3A_213 = arith.cmpi ne, %convert_element_type3A_211, %cond3A_212 : i32
      scf.if %cond3A_213 {
        %add3A_336 = arith.constant 4 : i32
        %add3A_337 = arith.addi %add3A_192, %add3A_336 : i32
        %sub3A_338 = arith.constant 1 : i32
        %sub3A_339 = arith.subi %add3A_337, %sub3A_338 : i32
        %mul3A_340 = arith.constant 128 : i32
        %mul3A_341 = arith.muli %sub3A_339, %mul3A_340 : i32
        %add3A_342 = arith.addi %mul3A_33, %mul3A_341 : i32
        %run_scoped3A_343 = arith.constant 0 : i32
        "tpu.region"() ({
          %run_scoped3A_360 = tpu.sem_alloc : memref<!tpu.dma_semaphore, #tpu.memory_space<semaphore_mem>>
          %dma_start3A_361 = arith.constant 0 : i32
          %dma_start3A_362 = tpu.memref_slice %arg6[%run_scoped3A_343, %dma_start3A_361] : memref<4x128xi32, #tpu.memory_space<vmem>> -> memref<1x128xi32, #tpu.memory_space<vmem>>
          %dma_start3A_363 = tpu.memref_squeeze %dma_start3A_362 : memref<1x128xi32, #tpu.memory_space<vmem>> -> memref<128xi32, #tpu.memory_space<vmem>>
          %dma_start3A_364 = tpu.memref_slice %arg2[%add3A_342] : memref<327680xi32, #tpu.memory_space<hbm>> -> memref<128xi32, #tpu.memory_space<hbm>>
          %dma_start3A_365 = arith.constant 0 : i32
          %dma_start3A_366 = tpu.memref_slice %arg6[%run_scoped3A_343, %dma_start3A_365] : memref<4x128xi32, #tpu.memory_space<vmem>> -> memref<1x128xi32, #tpu.memory_space<vmem>>
          %dma_start3A_367 = tpu.memref_squeeze %dma_start3A_366 : memref<1x128xi32, #tpu.memory_space<vmem>> -> memref<128xi32, #tpu.memory_space<vmem>>
          %dma_start3A_368 = tpu.memref_slice %arg2[%add3A_342] : memref<327680xi32, #tpu.memory_space<hbm>> -> memref<128xi32, #tpu.memory_space<hbm>>
          tpu.enqueue_dma source(%dma_start3A_368 : memref<128xi32, #tpu.memory_space<hbm>>) target(%dma_start3A_367 : memref<128xi32, #tpu.memory_space<vmem>>) target_semaphore(%run_scoped3A_360 : memref<!tpu.dma_semaphore, #tpu.memory_space<semaphore_mem>>)
          %dma_wait3A_369 = arith.constant 0 : i32
          %dma_wait3A_370 = tpu.memref_slice %arg6[%run_scoped3A_343, %dma_wait3A_369] : memref<4x128xi32, #tpu.memory_space<vmem>> -> memref<1x128xi32, #tpu.memory_space<vmem>>
          %dma_wait3A_371 = tpu.memref_squeeze %dma_wait3A_370 : memref<1x128xi32, #tpu.memory_space<vmem>> -> memref<128xi32, #tpu.memory_space<vmem>>
          %dma_wait3A_372 = tpu.memref_slice %arg2[%add3A_342] : memref<327680xi32, #tpu.memory_space<hbm>> -> memref<128xi32, #tpu.memory_space<hbm>>
          %dma_wait3A_373 = arith.constant 0 : i32
          %dma_wait3A_374 = tpu.memref_slice %arg6[%run_scoped3A_343, %dma_wait3A_373] : memref<4x128xi32, #tpu.memory_space<vmem>> -> memref<1x128xi32, #tpu.memory_space<vmem>>
          %dma_wait3A_375 = tpu.memref_squeeze %dma_wait3A_374 : memref<1x128xi32, #tpu.memory_space<vmem>> -> memref<128xi32, #tpu.memory_space<vmem>>
          %dma_wait3A_376 = tpu.memref_slice %arg2[%add3A_342] : memref<327680xi32, #tpu.memory_space<hbm>> -> memref<128xi32, #tpu.memory_space<hbm>>
          tpu.wait_dma2 semaphore(%run_scoped3A_360 : memref<!tpu.dma_semaphore, #tpu.memory_space<semaphore_mem>>) src(%dma_wait3A_376 : memref<128xi32, #tpu.memory_space<hbm>>) dst(%dma_wait3A_375 : memref<128xi32, #tpu.memory_space<vmem>>)
          tpu.yield
        }) : () -> ()
        %mul3A_344 = arith.constant 128 : i32
        %mul3A_345 = arith.muli %sub3A_339, %mul3A_344 : i32
        %add3A_346 = arith.addi %mul3A_33, %mul3A_345 : i32
        %run_scoped3A_347 = arith.constant 0 : i32
        "tpu.region"() ({
          %run_scoped3A_360 = tpu.sem_alloc : memref<!tpu.dma_semaphore, #tpu.memory_space<semaphore_mem>>
          %dma_start3A_361 = arith.constant 0 : i32
          %dma_start3A_362 = tpu.memref_slice %arg7[%run_scoped3A_347, %dma_start3A_361] : memref<4x128xi32, #tpu.memory_space<vmem>> -> memref<1x128xi32, #tpu.memory_space<vmem>>
          %dma_start3A_363 = tpu.memref_squeeze %dma_start3A_362 : memref<1x128xi32, #tpu.memory_space<vmem>> -> memref<128xi32, #tpu.memory_space<vmem>>
          %dma_start3A_364 = tpu.memref_slice %arg3[%add3A_346] : memref<327680xi32, #tpu.memory_space<hbm>> -> memref<128xi32, #tpu.memory_space<hbm>>
          %dma_start3A_365 = arith.constant 0 : i32
          %dma_start3A_366 = tpu.memref_slice %arg7[%run_scoped3A_347, %dma_start3A_365] : memref<4x128xi32, #tpu.memory_space<vmem>> -> memref<1x128xi32, #tpu.memory_space<vmem>>
          %dma_start3A_367 = tpu.memref_squeeze %dma_start3A_366 : memref<1x128xi32, #tpu.memory_space<vmem>> -> memref<128xi32, #tpu.memory_space<vmem>>
          %dma_start3A_368 = tpu.memref_slice %arg3[%add3A_346] : memref<327680xi32, #tpu.memory_space<hbm>> -> memref<128xi32, #tpu.memory_space<hbm>>
          tpu.enqueue_dma source(%dma_start3A_368 : memref<128xi32, #tpu.memory_space<hbm>>) target(%dma_start3A_367 : memref<128xi32, #tpu.memory_space<vmem>>) target_semaphore(%run_scoped3A_360 : memref<!tpu.dma_semaphore, #tpu.memory_space<semaphore_mem>>)
          %dma_wait3A_369 = arith.constant 0 : i32
          %dma_wait3A_370 = tpu.memref_slice %arg7[%run_scoped3A_347, %dma_wait3A_369] : memref<4x128xi32, #tpu.memory_space<vmem>> -> memref<1x128xi32, #tpu.memory_space<vmem>>
          %dma_wait3A_371 = tpu.memref_squeeze %dma_wait3A_370 : memref<1x128xi32, #tpu.memory_space<vmem>> -> memref<128xi32, #tpu.memory_space<vmem>>
          %dma_wait3A_372 = tpu.memref_slice %arg3[%add3A_346] : memref<327680xi32, #tpu.memory_space<hbm>> -> memref<128xi32, #tpu.memory_space<hbm>>
          %dma_wait3A_373 = arith.constant 0 : i32
          %dma_wait3A_374 = tpu.memref_slice %arg7[%run_scoped3A_347, %dma_wait3A_373] : memref<4x128xi32, #tpu.memory_space<vmem>> -> memref<1x128xi32, #tpu.memory_space<vmem>>
          %dma_wait3A_375 = tpu.memref_squeeze %dma_wait3A_374 : memref<1x128xi32, #tpu.memory_space<vmem>> -> memref<128xi32, #tpu.memory_space<vmem>>
          %dma_wait3A_376 = tpu.memref_slice %arg3[%add3A_346] : memref<327680xi32, #tpu.memory_space<hbm>> -> memref<128xi32, #tpu.memory_space<hbm>>
          tpu.wait_dma2 semaphore(%run_scoped3A_360 : memref<!tpu.dma_semaphore, #tpu.memory_space<semaphore_mem>>) src(%dma_wait3A_376 : memref<128xi32, #tpu.memory_space<hbm>>) dst(%dma_wait3A_375 : memref<128xi32, #tpu.memory_space<vmem>>)
          tpu.yield
        }) : () -> ()
        %dma_start3A_348 = arith.constant 0 : i32
        %dma_start3A_349 = arith.constant 0 : i32
        %dma_start3A_350 = arith.constant 0 : i32
        %dma_start3A_351 = arith.constant 0 : i32
        %dma_start3A_352 = tpu.memref_slice %arg8[%dma_start3A_349, %dma_start3A_350, %dma_start3A_351] : memref<4x128x64xf32, #tpu.memory_space<vmem>> -> memref<1x128x64xf32, #tpu.memory_space<vmem>>
        %dma_start3A_353 = tpu.memref_squeeze %dma_start3A_352 : memref<1x128x64xf32, #tpu.memory_space<vmem>> -> memref<128x64xf32, #tpu.memory_space<vmem>>
        %dma_start3A_354 = arith.constant 0 : i32
        %dma_start3A_355 = tpu.memref_slice %arg6[%dma_start3A_348, %dma_start3A_354] : memref<4x128xi32, #tpu.memory_space<vmem>> -> memref<1x128xi32, #tpu.memory_space<vmem>>
        %dma_start3A_356 = tpu.memref_squeeze %dma_start3A_355 : memref<1x128xi32, #tpu.memory_space<vmem>> -> memref<128xi32, #tpu.memory_space<vmem>>
        %dma_start3A_357 = arith.constant 0 : i32
        %dma_start3A_358 = arith.constant 0 : i32
        %dma_start3A_359 = tpu.memref_slice %arg9[%dma_start3A_357, %dma_start3A_358] : memref<10240x64xf32, #tpu.memory_space<vmem_shared>> -> memref<10240x64xf32, #tpu.memory_space<vmem_shared>>
        tpu.enqueue_indirect_dma source(%dma_start3A_359 : memref<10240x64xf32, #tpu.memory_space<vmem_shared>>) target(%dma_start3A_353 : memref<128x64xf32, #tpu.memory_space<vmem>>) offsets(%dma_start3A_356 : memref<128xi32, #tpu.memory_space<vmem>>) semaphore(%arg11 : memref<!tpu.dma_semaphore, #tpu.memory_space<semaphore_mem>>)
      } else {
      }
      %dma_wait3A_214 = arith.constant 1 : i32
      %dma_wait3A_215 = arith.constant 1 : i32
      %dma_wait3A_216 = arith.constant 0 : i32
      %dma_wait3A_217 = arith.constant 0 : i32
      %dma_wait3A_218 = tpu.memref_slice %arg8[%dma_wait3A_215, %dma_wait3A_216, %dma_wait3A_217] : memref<4x128x64xf32, #tpu.memory_space<vmem>> -> memref<1x128x64xf32, #tpu.memory_space<vmem>>
      %dma_wait3A_219 = tpu.memref_squeeze %dma_wait3A_218 : memref<1x128x64xf32, #tpu.memory_space<vmem>> -> memref<128x64xf32, #tpu.memory_space<vmem>>
      %dma_wait3A_220 = arith.constant 0 : i32
      %dma_wait3A_221 = tpu.memref_slice %arg6[%dma_wait3A_214, %dma_wait3A_220] : memref<4x128xi32, #tpu.memory_space<vmem>> -> memref<1x128xi32, #tpu.memory_space<vmem>>
      %dma_wait3A_222 = tpu.memref_squeeze %dma_wait3A_221 : memref<1x128xi32, #tpu.memory_space<vmem>> -> memref<128xi32, #tpu.memory_space<vmem>>
      %dma_wait3A_223 = arith.constant 0 : i32
      %dma_wait3A_224 = arith.constant 0 : i32
      %dma_wait3A_225 = tpu.memref_slice %arg9[%dma_wait3A_223, %dma_wait3A_224] : memref<10240x64xf32, #tpu.memory_space<vmem_shared>> -> memref<10240x64xf32, #tpu.memory_space<vmem_shared>>
      tpu.wait_indirect_dma semaphore(%arg12 : memref<!tpu.dma_semaphore, #tpu.memory_space<semaphore_mem>>) src(%dma_wait3A_225 : memref<10240x64xf32, #tpu.memory_space<vmem_shared>>) dst(%dma_wait3A_219 : memref<128x64xf32, #tpu.memory_space<vmem>>)
      %dma_start3A_226 = arith.constant 1 : i32
      %dma_start3A_227 = arith.constant 1 : i32
      %dma_start3A_228 = arith.constant 0 : i32
      %dma_start3A_229 = arith.constant 0 : i32
      %dma_start3A_230 = tpu.memref_slice %arg8[%dma_start3A_226, %dma_start3A_228, %dma_start3A_229] : memref<4x128x64xf32, #tpu.memory_space<vmem>> -> memref<1x128x64xf32, #tpu.memory_space<vmem>>
      %dma_start3A_231 = tpu.memref_squeeze %dma_start3A_230 : memref<1x128x64xf32, #tpu.memory_space<vmem>> -> memref<128x64xf32, #tpu.memory_space<vmem>>
      %dma_start3A_232 = arith.constant 0 : i32
      %dma_start3A_233 = tpu.memref_slice %arg7[%dma_start3A_227, %dma_start3A_232] : memref<4x128xi32, #tpu.memory_space<vmem>> -> memref<1x128xi32, #tpu.memory_space<vmem>>
      %dma_start3A_234 = tpu.memref_squeeze %dma_start3A_233 : memref<1x128xi32, #tpu.memory_space<vmem>> -> memref<128xi32, #tpu.memory_space<vmem>>
      %dma_start3A_235 = arith.constant 0 : i32
      %dma_start3A_236 = arith.constant 0 : i32
      %dma_start3A_237 = tpu.memref_slice %arg10[%dma_start3A_235, %dma_start3A_236] : memref<10240x64xf32, #tpu.memory_space<vmem_shared>> -> memref<10240x64xf32, #tpu.memory_space<vmem_shared>>
      tpu.enqueue_indirect_dma source(%dma_start3A_231 : memref<128x64xf32, #tpu.memory_space<vmem>>) target(%dma_start3A_237 : memref<10240x64xf32, #tpu.memory_space<vmem_shared>>) offsets(%dma_start3A_234 : memref<128xi32, #tpu.memory_space<vmem>>) semaphore(%arg16 : memref<!tpu.dma_semaphore, #tpu.memory_space<semaphore_mem>>) {add = true}
      %mul3A_238 = arith.constant 4 : i32
      %mul3A_239 = arith.muli %scan3A_145, %mul3A_238 : i32
      %add3A_240 = arith.constant 2 : i32
      %add3A_241 = arith.addi %mul3A_239, %add3A_240 : i32
      %add3A_242 = arith.constant 4 : i32
      %add3A_243 = arith.addi %add3A_241, %add3A_242 : i32
      %sub3A_244 = arith.constant 1 : i32
      %sub3A_245 = arith.subi %add3A_243, %sub3A_244 : i32
      %lt3A_246 = arith.constant 160 : i32
      %lt3A_247 = arith.cmpi slt, %sub3A_245, %lt3A_246 : i32
      %ge3A_248 = arith.constant 1 : i32
      %ge3A_249 = arith.cmpi sge, %add3A_241, %ge3A_248 : i32
      %and3A_250 = arith.andi %lt3A_247, %ge3A_249 : i1
      %convert_element_type3A_251 = arith.extui %and3A_250 : i1 to i32
      %cond3A_252 = arith.constant 0 : i32
      %cond3A_253 = arith.cmpi ne, %convert_element_type3A_251, %cond3A_252 : i32
      scf.if %cond3A_253 {
        %dma_wait3A_336 = arith.constant 1 : i32
        %dma_wait3A_337 = arith.constant 1 : i32
        %dma_wait3A_338 = arith.constant 0 : i32
        %dma_wait3A_339 = arith.constant 0 : i32
        %dma_wait3A_340 = tpu.memref_slice %arg8[%dma_wait3A_336, %dma_wait3A_338, %dma_wait3A_339] : memref<4x128x64xf32, #tpu.memory_space<vmem>> -> memref<1x128x64xf32, #tpu.memory_space<vmem>>
        %dma_wait3A_341 = tpu.memref_squeeze %dma_wait3A_340 : memref<1x128x64xf32, #tpu.memory_space<vmem>> -> memref<128x64xf32, #tpu.memory_space<vmem>>
        %dma_wait3A_342 = arith.constant 0 : i32
        %dma_wait3A_343 = tpu.memref_slice %arg7[%dma_wait3A_337, %dma_wait3A_342] : memref<4x128xi32, #tpu.memory_space<vmem>> -> memref<1x128xi32, #tpu.memory_space<vmem>>
        %dma_wait3A_344 = tpu.memref_squeeze %dma_wait3A_343 : memref<1x128xi32, #tpu.memory_space<vmem>> -> memref<128xi32, #tpu.memory_space<vmem>>
        %dma_wait3A_345 = arith.constant 0 : i32
        %dma_wait3A_346 = arith.constant 0 : i32
        %dma_wait3A_347 = tpu.memref_slice %arg10[%dma_wait3A_345, %dma_wait3A_346] : memref<10240x64xf32, #tpu.memory_space<vmem_shared>> -> memref<10240x64xf32, #tpu.memory_space<vmem_shared>>
        tpu.wait_indirect_dma semaphore(%arg16 : memref<!tpu.dma_semaphore, #tpu.memory_space<semaphore_mem>>) src(%dma_wait3A_341 : memref<128x64xf32, #tpu.memory_space<vmem>>) dst(%dma_wait3A_347 : memref<10240x64xf32, #tpu.memory_space<vmem_shared>>)
      } else {
      }
      %add3A_254 = arith.constant 4 : i32
      %add3A_255 = arith.addi %add3A_241, %add3A_254 : i32
      %sub3A_256 = arith.constant 1 : i32
      %sub3A_257 = arith.subi %add3A_255, %sub3A_256 : i32
      %lt3A_258 = arith.constant 160 : i32
      %lt3A_259 = arith.cmpi slt, %sub3A_257, %lt3A_258 : i32
      %convert_element_type3A_260 = arith.extui %lt3A_259 : i1 to i32
      %cond3A_261 = arith.constant 0 : i32
      %cond3A_262 = arith.cmpi ne, %convert_element_type3A_260, %cond3A_261 : i32
      scf.if %cond3A_262 {
        %add3A_336 = arith.constant 4 : i32
        %add3A_337 = arith.addi %add3A_241, %add3A_336 : i32
        %sub3A_338 = arith.constant 1 : i32
        %sub3A_339 = arith.subi %add3A_337, %sub3A_338 : i32
        %mul3A_340 = arith.constant 128 : i32
        %mul3A_341 = arith.muli %sub3A_339, %mul3A_340 : i32
        %add3A_342 = arith.addi %mul3A_33, %mul3A_341 : i32
        %run_scoped3A_343 = arith.constant 1 : i32
        "tpu.region"() ({
          %run_scoped3A_360 = tpu.sem_alloc : memref<!tpu.dma_semaphore, #tpu.memory_space<semaphore_mem>>
          %dma_start3A_361 = arith.constant 0 : i32
          %dma_start3A_362 = tpu.memref_slice %arg6[%run_scoped3A_343, %dma_start3A_361] : memref<4x128xi32, #tpu.memory_space<vmem>> -> memref<1x128xi32, #tpu.memory_space<vmem>>
          %dma_start3A_363 = tpu.memref_squeeze %dma_start3A_362 : memref<1x128xi32, #tpu.memory_space<vmem>> -> memref<128xi32, #tpu.memory_space<vmem>>
          %dma_start3A_364 = tpu.memref_slice %arg2[%add3A_342] : memref<327680xi32, #tpu.memory_space<hbm>> -> memref<128xi32, #tpu.memory_space<hbm>>
          %dma_start3A_365 = arith.constant 0 : i32
          %dma_start3A_366 = tpu.memref_slice %arg6[%run_scoped3A_343, %dma_start3A_365] : memref<4x128xi32, #tpu.memory_space<vmem>> -> memref<1x128xi32, #tpu.memory_space<vmem>>
          %dma_start3A_367 = tpu.memref_squeeze %dma_start3A_366 : memref<1x128xi32, #tpu.memory_space<vmem>> -> memref<128xi32, #tpu.memory_space<vmem>>
          %dma_start3A_368 = tpu.memref_slice %arg2[%add3A_342] : memref<327680xi32, #tpu.memory_space<hbm>> -> memref<128xi32, #tpu.memory_space<hbm>>
          tpu.enqueue_dma source(%dma_start3A_368 : memref<128xi32, #tpu.memory_space<hbm>>) target(%dma_start3A_367 : memref<128xi32, #tpu.memory_space<vmem>>) target_semaphore(%run_scoped3A_360 : memref<!tpu.dma_semaphore, #tpu.memory_space<semaphore_mem>>)
          %dma_wait3A_369 = arith.constant 0 : i32
          %dma_wait3A_370 = tpu.memref_slice %arg6[%run_scoped3A_343, %dma_wait3A_369] : memref<4x128xi32, #tpu.memory_space<vmem>> -> memref<1x128xi32, #tpu.memory_space<vmem>>
          %dma_wait3A_371 = tpu.memref_squeeze %dma_wait3A_370 : memref<1x128xi32, #tpu.memory_space<vmem>> -> memref<128xi32, #tpu.memory_space<vmem>>
          %dma_wait3A_372 = tpu.memref_slice %arg2[%add3A_342] : memref<327680xi32, #tpu.memory_space<hbm>> -> memref<128xi32, #tpu.memory_space<hbm>>
          %dma_wait3A_373 = arith.constant 0 : i32
          %dma_wait3A_374 = tpu.memref_slice %arg6[%run_scoped3A_343, %dma_wait3A_373] : memref<4x128xi32, #tpu.memory_space<vmem>> -> memref<1x128xi32, #tpu.memory_space<vmem>>
          %dma_wait3A_375 = tpu.memref_squeeze %dma_wait3A_374 : memref<1x128xi32, #tpu.memory_space<vmem>> -> memref<128xi32, #tpu.memory_space<vmem>>
          %dma_wait3A_376 = tpu.memref_slice %arg2[%add3A_342] : memref<327680xi32, #tpu.memory_space<hbm>> -> memref<128xi32, #tpu.memory_space<hbm>>
          tpu.wait_dma2 semaphore(%run_scoped3A_360 : memref<!tpu.dma_semaphore, #tpu.memory_space<semaphore_mem>>) src(%dma_wait3A_376 : memref<128xi32, #tpu.memory_space<hbm>>) dst(%dma_wait3A_375 : memref<128xi32, #tpu.memory_space<vmem>>)
          tpu.yield
        }) : () -> ()
        %mul3A_344 = arith.constant 128 : i32
        %mul3A_345 = arith.muli %sub3A_339, %mul3A_344 : i32
        %add3A_346 = arith.addi %mul3A_33, %mul3A_345 : i32
        %run_scoped3A_347 = arith.constant 1 : i32
        "tpu.region"() ({
          %run_scoped3A_360 = tpu.sem_alloc : memref<!tpu.dma_semaphore, #tpu.memory_space<semaphore_mem>>
          %dma_start3A_361 = arith.constant 0 : i32
          %dma_start3A_362 = tpu.memref_slice %arg7[%run_scoped3A_347, %dma_start3A_361] : memref<4x128xi32, #tpu.memory_space<vmem>> -> memref<1x128xi32, #tpu.memory_space<vmem>>
          %dma_start3A_363 = tpu.memref_squeeze %dma_start3A_362 : memref<1x128xi32, #tpu.memory_space<vmem>> -> memref<128xi32, #tpu.memory_space<vmem>>
          %dma_start3A_364 = tpu.memref_slice %arg3[%add3A_346] : memref<327680xi32, #tpu.memory_space<hbm>> -> memref<128xi32, #tpu.memory_space<hbm>>
          %dma_start3A_365 = arith.constant 0 : i32
          %dma_start3A_366 = tpu.memref_slice %arg7[%run_scoped3A_347, %dma_start3A_365] : memref<4x128xi32, #tpu.memory_space<vmem>> -> memref<1x128xi32, #tpu.memory_space<vmem>>
          %dma_start3A_367 = tpu.memref_squeeze %dma_start3A_366 : memref<1x128xi32, #tpu.memory_space<vmem>> -> memref<128xi32, #tpu.memory_space<vmem>>
          %dma_start3A_368 = tpu.memref_slice %arg3[%add3A_346] : memref<327680xi32, #tpu.memory_space<hbm>> -> memref<128xi32, #tpu.memory_space<hbm>>
          tpu.enqueue_dma source(%dma_start3A_368 : memref<128xi32, #tpu.memory_space<hbm>>) target(%dma_start3A_367 : memref<128xi32, #tpu.memory_space<vmem>>) target_semaphore(%run_scoped3A_360 : memref<!tpu.dma_semaphore, #tpu.memory_space<semaphore_mem>>)
          %dma_wait3A_369 = arith.constant 0 : i32
          %dma_wait3A_370 = tpu.memref_slice %arg7[%run_scoped3A_347, %dma_wait3A_369] : memref<4x128xi32, #tpu.memory_space<vmem>> -> memref<1x128xi32, #tpu.memory_space<vmem>>
          %dma_wait3A_371 = tpu.memref_squeeze %dma_wait3A_370 : memref<1x128xi32, #tpu.memory_space<vmem>> -> memref<128xi32, #tpu.memory_space<vmem>>
          %dma_wait3A_372 = tpu.memref_slice %arg3[%add3A_346] : memref<327680xi32, #tpu.memory_space<hbm>> -> memref<128xi32, #tpu.memory_space<hbm>>
          %dma_wait3A_373 = arith.constant 0 : i32
          %dma_wait3A_374 = tpu.memref_slice %arg7[%run_scoped3A_347, %dma_wait3A_373] : memref<4x128xi32, #tpu.memory_space<vmem>> -> memref<1x128xi32, #tpu.memory_space<vmem>>
          %dma_wait3A_375 = tpu.memref_squeeze %dma_wait3A_374 : memref<1x128xi32, #tpu.memory_space<vmem>> -> memref<128xi32, #tpu.memory_space<vmem>>
          %dma_wait3A_376 = tpu.memref_slice %arg3[%add3A_346] : memref<327680xi32, #tpu.memory_space<hbm>> -> memref<128xi32, #tpu.memory_space<hbm>>
          tpu.wait_dma2 semaphore(%run_scoped3A_360 : memref<!tpu.dma_semaphore, #tpu.memory_space<semaphore_mem>>) src(%dma_wait3A_376 : memref<128xi32, #tpu.memory_space<hbm>>) dst(%dma_wait3A_375 : memref<128xi32, #tpu.memory_space<vmem>>)
          tpu.yield
        }) : () -> ()
        %dma_start3A_348 = arith.constant 1 : i32
        %dma_start3A_349 = arith.constant 1 : i32
        %dma_start3A_350 = arith.constant 0 : i32
        %dma_start3A_351 = arith.constant 0 : i32
        %dma_start3A_352 = tpu.memref_slice %arg8[%dma_start3A_349, %dma_start3A_350, %dma_start3A_351] : memref<4x128x64xf32, #tpu.memory_space<vmem>> -> memref<1x128x64xf32, #tpu.memory_space<vmem>>
        %dma_start3A_353 = tpu.memref_squeeze %dma_start3A_352 : memref<1x128x64xf32, #tpu.memory_space<vmem>> -> memref<128x64xf32, #tpu.memory_space<vmem>>
        %dma_start3A_354 = arith.constant 0 : i32
        %dma_start3A_355 = tpu.memref_slice %arg6[%dma_start3A_348, %dma_start3A_354] : memref<4x128xi32, #tpu.memory_space<vmem>> -> memref<1x128xi32, #tpu.memory_space<vmem>>
        %dma_start3A_356 = tpu.memref_squeeze %dma_start3A_355 : memref<1x128xi32, #tpu.memory_space<vmem>> -> memref<128xi32, #tpu.memory_space<vmem>>
        %dma_start3A_357 = arith.constant 0 : i32
        %dma_start3A_358 = arith.constant 0 : i32
        %dma_start3A_359 = tpu.memref_slice %arg9[%dma_start3A_357, %dma_start3A_358] : memref<10240x64xf32, #tpu.memory_space<vmem_shared>> -> memref<10240x64xf32, #tpu.memory_space<vmem_shared>>
        tpu.enqueue_indirect_dma source(%dma_start3A_359 : memref<10240x64xf32, #tpu.memory_space<vmem_shared>>) target(%dma_start3A_353 : memref<128x64xf32, #tpu.memory_space<vmem>>) offsets(%dma_start3A_356 : memref<128xi32, #tpu.memory_space<vmem>>) semaphore(%arg12 : memref<!tpu.dma_semaphore, #tpu.memory_space<semaphore_mem>>)
      } else {
      }
      %dma_wait3A_263 = arith.constant 2 : i32
      %dma_wait3A_264 = arith.constant 2 : i32
      %dma_wait3A_265 = arith.constant 0 : i32
      %dma_wait3A_266 = arith.constant 0 : i32
      %dma_wait3A_267 = tpu.memref_slice %arg8[%dma_wait3A_264, %dma_wait3A_265, %dma_wait3A_266] : memref<4x128x64xf32, #tpu.memory_space<vmem>> -> memref<1x128x64xf32, #tpu.memory_space<vmem>>
      %dma_wait3A_268 = tpu.memref_squeeze %dma_wait3A_267 : memref<1x128x64xf32, #tpu.memory_space<vmem>> -> memref<128x64xf32, #tpu.memory_space<vmem>>
      %dma_wait3A_269 = arith.constant 0 : i32
      %dma_wait3A_270 = tpu.memref_slice %arg6[%dma_wait3A_263, %dma_wait3A_269] : memref<4x128xi32, #tpu.memory_space<vmem>> -> memref<1x128xi32, #tpu.memory_space<vmem>>
      %dma_wait3A_271 = tpu.memref_squeeze %dma_wait3A_270 : memref<1x128xi32, #tpu.memory_space<vmem>> -> memref<128xi32, #tpu.memory_space<vmem>>
      %dma_wait3A_272 = arith.constant 0 : i32
      %dma_wait3A_273 = arith.constant 0 : i32
      %dma_wait3A_274 = tpu.memref_slice %arg9[%dma_wait3A_272, %dma_wait3A_273] : memref<10240x64xf32, #tpu.memory_space<vmem_shared>> -> memref<10240x64xf32, #tpu.memory_space<vmem_shared>>
      tpu.wait_indirect_dma semaphore(%arg13 : memref<!tpu.dma_semaphore, #tpu.memory_space<semaphore_mem>>) src(%dma_wait3A_274 : memref<10240x64xf32, #tpu.memory_space<vmem_shared>>) dst(%dma_wait3A_268 : memref<128x64xf32, #tpu.memory_space<vmem>>)
      %dma_start3A_275 = arith.constant 2 : i32
      %dma_start3A_276 = arith.constant 2 : i32
      %dma_start3A_277 = arith.constant 0 : i32
      %dma_start3A_278 = arith.constant 0 : i32
      %dma_start3A_279 = tpu.memref_slice %arg8[%dma_start3A_275, %dma_start3A_277, %dma_start3A_278] : memref<4x128x64xf32, #tpu.memory_space<vmem>> -> memref<1x128x64xf32, #tpu.memory_space<vmem>>
      %dma_start3A_280 = tpu.memref_squeeze %dma_start3A_279 : memref<1x128x64xf32, #tpu.memory_space<vmem>> -> memref<128x64xf32, #tpu.memory_space<vmem>>
      %dma_start3A_281 = arith.constant 0 : i32
      %dma_start3A_282 = tpu.memref_slice %arg7[%dma_start3A_276, %dma_start3A_281] : memref<4x128xi32, #tpu.memory_space<vmem>> -> memref<1x128xi32, #tpu.memory_space<vmem>>
      %dma_start3A_283 = tpu.memref_squeeze %dma_start3A_282 : memref<1x128xi32, #tpu.memory_space<vmem>> -> memref<128xi32, #tpu.memory_space<vmem>>
      %dma_start3A_284 = arith.constant 0 : i32
      %dma_start3A_285 = arith.constant 0 : i32
      %dma_start3A_286 = tpu.memref_slice %arg10[%dma_start3A_284, %dma_start3A_285] : memref<10240x64xf32, #tpu.memory_space<vmem_shared>> -> memref<10240x64xf32, #tpu.memory_space<vmem_shared>>
      tpu.enqueue_indirect_dma source(%dma_start3A_280 : memref<128x64xf32, #tpu.memory_space<vmem>>) target(%dma_start3A_286 : memref<10240x64xf32, #tpu.memory_space<vmem_shared>>) offsets(%dma_start3A_283 : memref<128xi32, #tpu.memory_space<vmem>>) semaphore(%arg17 : memref<!tpu.dma_semaphore, #tpu.memory_space<semaphore_mem>>) {add = true}
      %mul3A_287 = arith.constant 4 : i32
      %mul3A_288 = arith.muli %scan3A_145, %mul3A_287 : i32
      %add3A_289 = arith.constant 3 : i32
      %add3A_290 = arith.addi %mul3A_288, %add3A_289 : i32
      %add3A_291 = arith.constant 4 : i32
      %add3A_292 = arith.addi %add3A_290, %add3A_291 : i32
      %sub3A_293 = arith.constant 1 : i32
      %sub3A_294 = arith.subi %add3A_292, %sub3A_293 : i32
      %lt3A_295 = arith.constant 160 : i32
      %lt3A_296 = arith.cmpi slt, %sub3A_294, %lt3A_295 : i32
      %ge3A_297 = arith.constant 1 : i32
      %ge3A_298 = arith.cmpi sge, %add3A_290, %ge3A_297 : i32
      %and3A_299 = arith.andi %lt3A_296, %ge3A_298 : i1
      %convert_element_type3A_300 = arith.extui %and3A_299 : i1 to i32
      %cond3A_301 = arith.constant 0 : i32
      %cond3A_302 = arith.cmpi ne, %convert_element_type3A_300, %cond3A_301 : i32
      scf.if %cond3A_302 {
        %dma_wait3A_336 = arith.constant 2 : i32
        %dma_wait3A_337 = arith.constant 2 : i32
        %dma_wait3A_338 = arith.constant 0 : i32
        %dma_wait3A_339 = arith.constant 0 : i32
        %dma_wait3A_340 = tpu.memref_slice %arg8[%dma_wait3A_336, %dma_wait3A_338, %dma_wait3A_339] : memref<4x128x64xf32, #tpu.memory_space<vmem>> -> memref<1x128x64xf32, #tpu.memory_space<vmem>>
        %dma_wait3A_341 = tpu.memref_squeeze %dma_wait3A_340 : memref<1x128x64xf32, #tpu.memory_space<vmem>> -> memref<128x64xf32, #tpu.memory_space<vmem>>
        %dma_wait3A_342 = arith.constant 0 : i32
        %dma_wait3A_343 = tpu.memref_slice %arg7[%dma_wait3A_337, %dma_wait3A_342] : memref<4x128xi32, #tpu.memory_space<vmem>> -> memref<1x128xi32, #tpu.memory_space<vmem>>
        %dma_wait3A_344 = tpu.memref_squeeze %dma_wait3A_343 : memref<1x128xi32, #tpu.memory_space<vmem>> -> memref<128xi32, #tpu.memory_space<vmem>>
        %dma_wait3A_345 = arith.constant 0 : i32
        %dma_wait3A_346 = arith.constant 0 : i32
        %dma_wait3A_347 = tpu.memref_slice %arg10[%dma_wait3A_345, %dma_wait3A_346] : memref<10240x64xf32, #tpu.memory_space<vmem_shared>> -> memref<10240x64xf32, #tpu.memory_space<vmem_shared>>
        tpu.wait_indirect_dma semaphore(%arg17 : memref<!tpu.dma_semaphore, #tpu.memory_space<semaphore_mem>>) src(%dma_wait3A_341 : memref<128x64xf32, #tpu.memory_space<vmem>>) dst(%dma_wait3A_347 : memref<10240x64xf32, #tpu.memory_space<vmem_shared>>)
      } else {
      }
      %add3A_303 = arith.constant 4 : i32
      %add3A_304 = arith.addi %add3A_290, %add3A_303 : i32
      %sub3A_305 = arith.constant 1 : i32
      %sub3A_306 = arith.subi %add3A_304, %sub3A_305 : i32
      %lt3A_307 = arith.constant 160 : i32
      %lt3A_308 = arith.cmpi slt, %sub3A_306, %lt3A_307 : i32
      %convert_element_type3A_309 = arith.extui %lt3A_308 : i1 to i32
      %cond3A_310 = arith.constant 0 : i32
      %cond3A_311 = arith.cmpi ne, %convert_element_type3A_309, %cond3A_310 : i32
      scf.if %cond3A_311 {
        %add3A_336 = arith.constant 4 : i32
        %add3A_337 = arith.addi %add3A_290, %add3A_336 : i32
        %sub3A_338 = arith.constant 1 : i32
        %sub3A_339 = arith.subi %add3A_337, %sub3A_338 : i32
        %mul3A_340 = arith.constant 128 : i32
        %mul3A_341 = arith.muli %sub3A_339, %mul3A_340 : i32
        %add3A_342 = arith.addi %mul3A_33, %mul3A_341 : i32
        %run_scoped3A_343 = arith.constant 2 : i32
        "tpu.region"() ({
          %run_scoped3A_360 = tpu.sem_alloc : memref<!tpu.dma_semaphore, #tpu.memory_space<semaphore_mem>>
          %dma_start3A_361 = arith.constant 0 : i32
          %dma_start3A_362 = tpu.memref_slice %arg6[%run_scoped3A_343, %dma_start3A_361] : memref<4x128xi32, #tpu.memory_space<vmem>> -> memref<1x128xi32, #tpu.memory_space<vmem>>
          %dma_start3A_363 = tpu.memref_squeeze %dma_start3A_362 : memref<1x128xi32, #tpu.memory_space<vmem>> -> memref<128xi32, #tpu.memory_space<vmem>>
          %dma_start3A_364 = tpu.memref_slice %arg2[%add3A_342] : memref<327680xi32, #tpu.memory_space<hbm>> -> memref<128xi32, #tpu.memory_space<hbm>>
          %dma_start3A_365 = arith.constant 0 : i32
          %dma_start3A_366 = tpu.memref_slice %arg6[%run_scoped3A_343, %dma_start3A_365] : memref<4x128xi32, #tpu.memory_space<vmem>> -> memref<1x128xi32, #tpu.memory_space<vmem>>
          %dma_start3A_367 = tpu.memref_squeeze %dma_start3A_366 : memref<1x128xi32, #tpu.memory_space<vmem>> -> memref<128xi32, #tpu.memory_space<vmem>>
          %dma_start3A_368 = tpu.memref_slice %arg2[%add3A_342] : memref<327680xi32, #tpu.memory_space<hbm>> -> memref<128xi32, #tpu.memory_space<hbm>>
          tpu.enqueue_dma source(%dma_start3A_368 : memref<128xi32, #tpu.memory_space<hbm>>) target(%dma_start3A_367 : memref<128xi32, #tpu.memory_space<vmem>>) target_semaphore(%run_scoped3A_360 : memref<!tpu.dma_semaphore, #tpu.memory_space<semaphore_mem>>)
          %dma_wait3A_369 = arith.constant 0 : i32
          %dma_wait3A_370 = tpu.memref_slice %arg6[%run_scoped3A_343, %dma_wait3A_369] : memref<4x128xi32, #tpu.memory_space<vmem>> -> memref<1x128xi32, #tpu.memory_space<vmem>>
          %dma_wait3A_371 = tpu.memref_squeeze %dma_wait3A_370 : memref<1x128xi32, #tpu.memory_space<vmem>> -> memref<128xi32, #tpu.memory_space<vmem>>
          %dma_wait3A_372 = tpu.memref_slice %arg2[%add3A_342] : memref<327680xi32, #tpu.memory_space<hbm>> -> memref<128xi32, #tpu.memory_space<hbm>>
          %dma_wait3A_373 = arith.constant 0 : i32
          %dma_wait3A_374 = tpu.memref_slice %arg6[%run_scoped3A_343, %dma_wait3A_373] : memref<4x128xi32, #tpu.memory_space<vmem>> -> memref<1x128xi32, #tpu.memory_space<vmem>>
          %dma_wait3A_375 = tpu.memref_squeeze %dma_wait3A_374 : memref<1x128xi32, #tpu.memory_space<vmem>> -> memref<128xi32, #tpu.memory_space<vmem>>
          %dma_wait3A_376 = tpu.memref_slice %arg2[%add3A_342] : memref<327680xi32, #tpu.memory_space<hbm>> -> memref<128xi32, #tpu.memory_space<hbm>>
          tpu.wait_dma2 semaphore(%run_scoped3A_360 : memref<!tpu.dma_semaphore, #tpu.memory_space<semaphore_mem>>) src(%dma_wait3A_376 : memref<128xi32, #tpu.memory_space<hbm>>) dst(%dma_wait3A_375 : memref<128xi32, #tpu.memory_space<vmem>>)
          tpu.yield
        }) : () -> ()
        %mul3A_344 = arith.constant 128 : i32
        %mul3A_345 = arith.muli %sub3A_339, %mul3A_344 : i32
        %add3A_346 = arith.addi %mul3A_33, %mul3A_345 : i32
        %run_scoped3A_347 = arith.constant 2 : i32
        "tpu.region"() ({
          %run_scoped3A_360 = tpu.sem_alloc : memref<!tpu.dma_semaphore, #tpu.memory_space<semaphore_mem>>
          %dma_start3A_361 = arith.constant 0 : i32
          %dma_start3A_362 = tpu.memref_slice %arg7[%run_scoped3A_347, %dma_start3A_361] : memref<4x128xi32, #tpu.memory_space<vmem>> -> memref<1x128xi32, #tpu.memory_space<vmem>>
          %dma_start3A_363 = tpu.memref_squeeze %dma_start3A_362 : memref<1x128xi32, #tpu.memory_space<vmem>> -> memref<128xi32, #tpu.memory_space<vmem>>
          %dma_start3A_364 = tpu.memref_slice %arg3[%add3A_346] : memref<327680xi32, #tpu.memory_space<hbm>> -> memref<128xi32, #tpu.memory_space<hbm>>
          %dma_start3A_365 = arith.constant 0 : i32
          %dma_start3A_366 = tpu.memref_slice %arg7[%run_scoped3A_347, %dma_start3A_365] : memref<4x128xi32, #tpu.memory_space<vmem>> -> memref<1x128xi32, #tpu.memory_space<vmem>>
          %dma_start3A_367 = tpu.memref_squeeze %dma_start3A_366 : memref<1x128xi32, #tpu.memory_space<vmem>> -> memref<128xi32, #tpu.memory_space<vmem>>
          %dma_start3A_368 = tpu.memref_slice %arg3[%add3A_346] : memref<327680xi32, #tpu.memory_space<hbm>> -> memref<128xi32, #tpu.memory_space<hbm>>
          tpu.enqueue_dma source(%dma_start3A_368 : memref<128xi32, #tpu.memory_space<hbm>>) target(%dma_start3A_367 : memref<128xi32, #tpu.memory_space<vmem>>) target_semaphore(%run_scoped3A_360 : memref<!tpu.dma_semaphore, #tpu.memory_space<semaphore_mem>>)
          %dma_wait3A_369 = arith.constant 0 : i32
          %dma_wait3A_370 = tpu.memref_slice %arg7[%run_scoped3A_347, %dma_wait3A_369] : memref<4x128xi32, #tpu.memory_space<vmem>> -> memref<1x128xi32, #tpu.memory_space<vmem>>
          %dma_wait3A_371 = tpu.memref_squeeze %dma_wait3A_370 : memref<1x128xi32, #tpu.memory_space<vmem>> -> memref<128xi32, #tpu.memory_space<vmem>>
          %dma_wait3A_372 = tpu.memref_slice %arg3[%add3A_346] : memref<327680xi32, #tpu.memory_space<hbm>> -> memref<128xi32, #tpu.memory_space<hbm>>
          %dma_wait3A_373 = arith.constant 0 : i32
          %dma_wait3A_374 = tpu.memref_slice %arg7[%run_scoped3A_347, %dma_wait3A_373] : memref<4x128xi32, #tpu.memory_space<vmem>> -> memref<1x128xi32, #tpu.memory_space<vmem>>
          %dma_wait3A_375 = tpu.memref_squeeze %dma_wait3A_374 : memref<1x128xi32, #tpu.memory_space<vmem>> -> memref<128xi32, #tpu.memory_space<vmem>>
          %dma_wait3A_376 = tpu.memref_slice %arg3[%add3A_346] : memref<327680xi32, #tpu.memory_space<hbm>> -> memref<128xi32, #tpu.memory_space<hbm>>
          tpu.wait_dma2 semaphore(%run_scoped3A_360 : memref<!tpu.dma_semaphore, #tpu.memory_space<semaphore_mem>>) src(%dma_wait3A_376 : memref<128xi32, #tpu.memory_space<hbm>>) dst(%dma_wait3A_375 : memref<128xi32, #tpu.memory_space<vmem>>)
          tpu.yield
        }) : () -> ()
        %dma_start3A_348 = arith.constant 2 : i32
        %dma_start3A_349 = arith.constant 2 : i32
        %dma_start3A_350 = arith.constant 0 : i32
        %dma_start3A_351 = arith.constant 0 : i32
        %dma_start3A_352 = tpu.memref_slice %arg8[%dma_start3A_349, %dma_start3A_350, %dma_start3A_351] : memref<4x128x64xf32, #tpu.memory_space<vmem>> -> memref<1x128x64xf32, #tpu.memory_space<vmem>>
        %dma_start3A_353 = tpu.memref_squeeze %dma_start3A_352 : memref<1x128x64xf32, #tpu.memory_space<vmem>> -> memref<128x64xf32, #tpu.memory_space<vmem>>
        %dma_start3A_354 = arith.constant 0 : i32
        %dma_start3A_355 = tpu.memref_slice %arg6[%dma_start3A_348, %dma_start3A_354] : memref<4x128xi32, #tpu.memory_space<vmem>> -> memref<1x128xi32, #tpu.memory_space<vmem>>
        %dma_start3A_356 = tpu.memref_squeeze %dma_start3A_355 : memref<1x128xi32, #tpu.memory_space<vmem>> -> memref<128xi32, #tpu.memory_space<vmem>>
        %dma_start3A_357 = arith.constant 0 : i32
        %dma_start3A_358 = arith.constant 0 : i32
        %dma_start3A_359 = tpu.memref_slice %arg9[%dma_start3A_357, %dma_start3A_358] : memref<10240x64xf32, #tpu.memory_space<vmem_shared>> -> memref<10240x64xf32, #tpu.memory_space<vmem_shared>>
        tpu.enqueue_indirect_dma source(%dma_start3A_359 : memref<10240x64xf32, #tpu.memory_space<vmem_shared>>) target(%dma_start3A_353 : memref<128x64xf32, #tpu.memory_space<vmem>>) offsets(%dma_start3A_356 : memref<128xi32, #tpu.memory_space<vmem>>) semaphore(%arg13 : memref<!tpu.dma_semaphore, #tpu.memory_space<semaphore_mem>>)
      } else {
      }
      %dma_wait3A_312 = arith.constant 3 : i32
      %dma_wait3A_313 = arith.constant 3 : i32
      %dma_wait3A_314 = arith.constant 0 : i32
      %dma_wait3A_315 = arith.constant 0 : i32
      %dma_wait3A_316 = tpu.memref_slice %arg8[%dma_wait3A_313, %dma_wait3A_314, %dma_wait3A_315] : memref<4x128x64xf32, #tpu.memory_space<vmem>> -> memref<1x128x64xf32, #tpu.memory_space<vmem>>
      %dma_wait3A_317 = tpu.memref_squeeze %dma_wait3A_316 : memref<1x128x64xf32, #tpu.memory_space<vmem>> -> memref<128x64xf32, #tpu.memory_space<vmem>>
      %dma_wait3A_318 = arith.constant 0 : i32
      %dma_wait3A_319 = tpu.memref_slice %arg6[%dma_wait3A_312, %dma_wait3A_318] : memref<4x128xi32, #tpu.memory_space<vmem>> -> memref<1x128xi32, #tpu.memory_space<vmem>>
      %dma_wait3A_320 = tpu.memref_squeeze %dma_wait3A_319 : memref<1x128xi32, #tpu.memory_space<vmem>> -> memref<128xi32, #tpu.memory_space<vmem>>
      %dma_wait3A_321 = arith.constant 0 : i32
      %dma_wait3A_322 = arith.constant 0 : i32
      %dma_wait3A_323 = tpu.memref_slice %arg9[%dma_wait3A_321, %dma_wait3A_322] : memref<10240x64xf32, #tpu.memory_space<vmem_shared>> -> memref<10240x64xf32, #tpu.memory_space<vmem_shared>>
      tpu.wait_indirect_dma semaphore(%arg14 : memref<!tpu.dma_semaphore, #tpu.memory_space<semaphore_mem>>) src(%dma_wait3A_323 : memref<10240x64xf32, #tpu.memory_space<vmem_shared>>) dst(%dma_wait3A_317 : memref<128x64xf32, #tpu.memory_space<vmem>>)
      %dma_start3A_324 = arith.constant 3 : i32
      %dma_start3A_325 = arith.constant 3 : i32
      %dma_start3A_326 = arith.constant 0 : i32
      %dma_start3A_327 = arith.constant 0 : i32
      %dma_start3A_328 = tpu.memref_slice %arg8[%dma_start3A_324, %dma_start3A_326, %dma_start3A_327] : memref<4x128x64xf32, #tpu.memory_space<vmem>> -> memref<1x128x64xf32, #tpu.memory_space<vmem>>
      %dma_start3A_329 = tpu.memref_squeeze %dma_start3A_328 : memref<1x128x64xf32, #tpu.memory_space<vmem>> -> memref<128x64xf32, #tpu.memory_space<vmem>>
      %dma_start3A_330 = arith.constant 0 : i32
      %dma_start3A_331 = tpu.memref_slice %arg7[%dma_start3A_325, %dma_start3A_330] : memref<4x128xi32, #tpu.memory_space<vmem>> -> memref<1x128xi32, #tpu.memory_space<vmem>>
      %dma_start3A_332 = tpu.memref_squeeze %dma_start3A_331 : memref<1x128xi32, #tpu.memory_space<vmem>> -> memref<128xi32, #tpu.memory_space<vmem>>
      %dma_start3A_333 = arith.constant 0 : i32
      %dma_start3A_334 = arith.constant 0 : i32
      %dma_start3A_335 = tpu.memref_slice %arg10[%dma_start3A_333, %dma_start3A_334] : memref<10240x64xf32, #tpu.memory_space<vmem_shared>> -> memref<10240x64xf32, #tpu.memory_space<vmem_shared>>
      tpu.enqueue_indirect_dma source(%dma_start3A_329 : memref<128x64xf32, #tpu.memory_space<vmem>>) target(%dma_start3A_335 : memref<10240x64xf32, #tpu.memory_space<vmem_shared>>) offsets(%dma_start3A_332 : memref<128xi32, #tpu.memory_space<vmem>>) semaphore(%arg18 : memref<!tpu.dma_semaphore, #tpu.memory_space<semaphore_mem>>) {add = true}
    }
    %scan3A_92 = arith.constant 40 : i32
    %dma_wait3A = arith.constant 0 : i32
    %dma_wait3A_93 = arith.constant 0 : i32
    %dma_wait3A_94 = arith.constant 0 : i32
    %dma_wait3A_95 = arith.constant 0 : i32
    %dma_wait3A_96 = tpu.memref_slice %arg8[%dma_wait3A, %dma_wait3A_94, %dma_wait3A_95] : memref<4x128x64xf32, #tpu.memory_space<vmem>> -> memref<1x128x64xf32, #tpu.memory_space<vmem>>
    %dma_wait3A_97 = tpu.memref_squeeze %dma_wait3A_96 : memref<1x128x64xf32, #tpu.memory_space<vmem>> -> memref<128x64xf32, #tpu.memory_space<vmem>>
    %dma_wait3A_98 = arith.constant 0 : i32
    %dma_wait3A_99 = tpu.memref_slice %arg7[%dma_wait3A_93, %dma_wait3A_98] : memref<4x128xi32, #tpu.memory_space<vmem>> -> memref<1x128xi32, #tpu.memory_space<vmem>>
    %dma_wait3A_100 = tpu.memref_squeeze %dma_wait3A_99 : memref<1x128xi32, #tpu.memory_space<vmem>> -> memref<128xi32, #tpu.memory_space<vmem>>
    %dma_wait3A_101 = arith.constant 0 : i32
    %dma_wait3A_102 = arith.constant 0 : i32
    %dma_wait3A_103 = tpu.memref_slice %arg10[%dma_wait3A_101, %dma_wait3A_102] : memref<10240x64xf32, #tpu.memory_space<vmem_shared>> -> memref<10240x64xf32, #tpu.memory_space<vmem_shared>>
    tpu.wait_indirect_dma semaphore(%arg15 : memref<!tpu.dma_semaphore, #tpu.memory_space<semaphore_mem>>) src(%dma_wait3A_97 : memref<128x64xf32, #tpu.memory_space<vmem>>) dst(%dma_wait3A_103 : memref<10240x64xf32, #tpu.memory_space<vmem_shared>>)
    %dma_wait3A_104 = arith.constant 1 : i32
    %dma_wait3A_105 = arith.constant 1 : i32
    %dma_wait3A_106 = arith.constant 0 : i32
    %dma_wait3A_107 = arith.constant 0 : i32
    %dma_wait3A_108 = tpu.memref_slice %arg8[%dma_wait3A_104, %dma_wait3A_106, %dma_wait3A_107] : memref<4x128x64xf32, #tpu.memory_space<vmem>> -> memref<1x128x64xf32, #tpu.memory_space<vmem>>
    %dma_wait3A_109 = tpu.memref_squeeze %dma_wait3A_108 : memref<1x128x64xf32, #tpu.memory_space<vmem>> -> memref<128x64xf32, #tpu.memory_space<vmem>>
    %dma_wait3A_110 = arith.constant 0 : i32
    %dma_wait3A_111 = tpu.memref_slice %arg7[%dma_wait3A_105, %dma_wait3A_110] : memref<4x128xi32, #tpu.memory_space<vmem>> -> memref<1x128xi32, #tpu.memory_space<vmem>>
    %dma_wait3A_112 = tpu.memref_squeeze %dma_wait3A_111 : memref<1x128xi32, #tpu.memory_space<vmem>> -> memref<128xi32, #tpu.memory_space<vmem>>
    %dma_wait3A_113 = arith.constant 0 : i32
    %dma_wait3A_114 = arith.constant 0 : i32
    %dma_wait3A_115 = tpu.memref_slice %arg10[%dma_wait3A_113, %dma_wait3A_114] : memref<10240x64xf32, #tpu.memory_space<vmem_shared>> -> memref<10240x64xf32, #tpu.memory_space<vmem_shared>>
    tpu.wait_indirect_dma semaphore(%arg16 : memref<!tpu.dma_semaphore, #tpu.memory_space<semaphore_mem>>) src(%dma_wait3A_109 : memref<128x64xf32, #tpu.memory_space<vmem>>) dst(%dma_wait3A_115 : memref<10240x64xf32, #tpu.memory_space<vmem_shared>>)
    %dma_wait3A_116 = arith.constant 2 : i32
    %dma_wait3A_117 = arith.constant 2 : i32
    %dma_wait3A_118 = arith.constant 0 : i32
    %dma_wait3A_119 = arith.constant 0 : i32
    %dma_wait3A_120 = tpu.memref_slice %arg8[%dma_wait3A_116, %dma_wait3A_118, %dma_wait3A_119] : memref<4x128x64xf32, #tpu.memory_space<vmem>> -> memref<1x128x64xf32, #tpu.memory_space<vmem>>
    %dma_wait3A_121 = tpu.memref_squeeze %dma_wait3A_120 : memref<1x128x64xf32, #tpu.memory_space<vmem>> -> memref<128x64xf32, #tpu.memory_space<vmem>>
    %dma_wait3A_122 = arith.constant 0 : i32
    %dma_wait3A_123 = tpu.memref_slice %arg7[%dma_wait3A_117, %dma_wait3A_122] : memref<4x128xi32, #tpu.memory_space<vmem>> -> memref<1x128xi32, #tpu.memory_space<vmem>>
    %dma_wait3A_124 = tpu.memref_squeeze %dma_wait3A_123 : memref<1x128xi32, #tpu.memory_space<vmem>> -> memref<128xi32, #tpu.memory_space<vmem>>
    %dma_wait3A_125 = arith.constant 0 : i32
    %dma_wait3A_126 = arith.constant 0 : i32
    %dma_wait3A_127 = tpu.memref_slice %arg10[%dma_wait3A_125, %dma_wait3A_126] : memref<10240x64xf32, #tpu.memory_space<vmem_shared>> -> memref<10240x64xf32, #tpu.memory_space<vmem_shared>>
    tpu.wait_indirect_dma semaphore(%arg17 : memref<!tpu.dma_semaphore, #tpu.memory_space<semaphore_mem>>) src(%dma_wait3A_121 : memref<128x64xf32, #tpu.memory_space<vmem>>) dst(%dma_wait3A_127 : memref<10240x64xf32, #tpu.memory_space<vmem_shared>>)
    %dma_wait3A_128 = arith.constant 3 : i32
    %dma_wait3A_129 = arith.constant 3 : i32
    %dma_wait3A_130 = arith.constant 0 : i32
    %dma_wait3A_131 = arith.constant 0 : i32
    %dma_wait3A_132 = tpu.memref_slice %arg8[%dma_wait3A_128, %dma_wait3A_130, %dma_wait3A_131] : memref<4x128x64xf32, #tpu.memory_space<vmem>> -> memref<1x128x64xf32, #tpu.memory_space<vmem>>
    %dma_wait3A_133 = tpu.memref_squeeze %dma_wait3A_132 : memref<1x128x64xf32, #tpu.memory_space<vmem>> -> memref<128x64xf32, #tpu.memory_space<vmem>>
    %dma_wait3A_134 = arith.constant 0 : i32
    %dma_wait3A_135 = tpu.memref_slice %arg7[%dma_wait3A_129, %dma_wait3A_134] : memref<4x128xi32, #tpu.memory_space<vmem>> -> memref<1x128xi32, #tpu.memory_space<vmem>>
    %dma_wait3A_136 = tpu.memref_squeeze %dma_wait3A_135 : memref<1x128xi32, #tpu.memory_space<vmem>> -> memref<128xi32, #tpu.memory_space<vmem>>
    %dma_wait3A_137 = arith.constant 0 : i32
    %dma_wait3A_138 = arith.constant 0 : i32
    %dma_wait3A_139 = tpu.memref_slice %arg10[%dma_wait3A_137, %dma_wait3A_138] : memref<10240x64xf32, #tpu.memory_space<vmem_shared>> -> memref<10240x64xf32, #tpu.memory_space<vmem_shared>>
    tpu.wait_indirect_dma semaphore(%arg18 : memref<!tpu.dma_semaphore, #tpu.memory_space<semaphore_mem>>) src(%dma_wait3A_133 : memref<128x64xf32, #tpu.memory_space<vmem>>) dst(%dma_wait3A_139 : memref<10240x64xf32, #tpu.memory_space<vmem_shared>>)
    %barrier3A_140 = arith.constant 0 : index
    tpu.barrier barrier_id(%barrier3A_140)
    %mul3A_141 = arith.constant 640 : i32
    %mul3A_142 = arith.muli %arg1, %mul3A_141 : i32
    %mul3A_143 = arith.constant 640 : i32
    %mul3A_144 = arith.muli %arg1, %mul3A_143 : i32
    "tpu.region"() ({
      %run_scoped3A_145 = tpu.sem_alloc : memref<!tpu.dma_semaphore, #tpu.memory_space<semaphore_mem>>
      %dma_start3A_146 = arith.constant 0 : i32
      %dma_start3A_147 = arith.constant 0 : i32
      %dma_start3A_148 = tpu.memref_slice %arg5[%arg0, %dma_start3A_146, %dma_start3A_147] : memref<2x10240x64xf32, #tpu.memory_space<hbm>> -> memref<1x10240x64xf32, #tpu.memory_space<hbm>>
      %dma_start3A_149 = tpu.memref_squeeze %dma_start3A_148 : memref<1x10240x64xf32, #tpu.memory_space<hbm>> -> memref<10240x64xf32, #tpu.memory_space<hbm>>
      %dma_start3A_150 = arith.constant 0 : i32
      %dma_start3A_151 = tpu.memref_slice %dma_start3A_149[%mul3A_144, %dma_start3A_150] : memref<10240x64xf32, #tpu.memory_space<hbm>> -> memref<640x64xf32, #tpu.memory_space<hbm>>
      %dma_start3A_152 = arith.constant 0 : i32
      %dma_start3A_153 = tpu.memref_slice %arg10[%mul3A_142, %dma_start3A_152] : memref<10240x64xf32, #tpu.memory_space<vmem_shared>> -> memref<640x64xf32, #tpu.memory_space<vmem_shared>>
      tpu.enqueue_dma source(%dma_start3A_153 : memref<640x64xf32, #tpu.memory_space<vmem_shared>>) target(%dma_start3A_151 : memref<640x64xf32, #tpu.memory_space<hbm>>) target_semaphore(%run_scoped3A_145 : memref<!tpu.dma_semaphore, #tpu.memory_space<semaphore_mem>>)
      %dma_wait3A_154 = arith.constant 0 : i32
      %dma_wait3A_155 = arith.constant 0 : i32
      %dma_wait3A_156 = tpu.memref_slice %arg5[%arg0, %dma_wait3A_154, %dma_wait3A_155] : memref<2x10240x64xf32, #tpu.memory_space<hbm>> -> memref<1x10240x64xf32, #tpu.memory_space<hbm>>
      %dma_wait3A_157 = tpu.memref_squeeze %dma_wait3A_156 : memref<1x10240x64xf32, #tpu.memory_space<hbm>> -> memref<10240x64xf32, #tpu.memory_space<hbm>>
      %dma_wait3A_158 = arith.constant 0 : i32
      %dma_wait3A_159 = tpu.memref_slice %dma_wait3A_157[%mul3A_144, %dma_wait3A_158] : memref<10240x64xf32, #tpu.memory_space<hbm>> -> memref<640x64xf32, #tpu.memory_space<hbm>>
      %dma_wait3A_160 = arith.constant 0 : i32
      %dma_wait3A_161 = tpu.memref_slice %arg10[%mul3A_142, %dma_wait3A_160] : memref<10240x64xf32, #tpu.memory_space<vmem_shared>> -> memref<640x64xf32, #tpu.memory_space<vmem_shared>>
      tpu.wait_dma2 semaphore(%run_scoped3A_145 : memref<!tpu.dma_semaphore, #tpu.memory_space<semaphore_mem>>) src(%dma_wait3A_161 : memref<640x64xf32, #tpu.memory_space<vmem_shared>>) dst(%dma_wait3A_159 : memref<640x64xf32, #tpu.memory_space<hbm>>)
      tpu.yield
    }) : () -> ()
    return
  }
}

module attributes {stable_mosaic.version = 14 : i64} {
  func.func @_xw_body(%arg0: i32, %arg1: memref<2048x128xf32, #tpu.memory_space<vmem>>, %arg2: memref<128x128xf32, #tpu.memory_space<vmem>>, %arg3: memref<2048x128xf32, #tpu.memory_space<vmem>>) attributes {dimension_semantics = [#tpu.dimension_semantics<arbitrary>], iteration_bounds = array<i64: 5>, scalar_prefetch = 0 : i64, scratch_operands = 0 : i64, tpu.core_type = #tpu.core_type<tc>, window_params = [{transform_indices = @transform_0, window_bounds = array<i64: 2048, 128>}, {pipeline_mode = #tpu.pipeline_mode<synchronous>, transform_indices = @transform_1, window_bounds = array<i64: 128, 128>}, {transform_indices = @transform_2, window_bounds = array<i64: 2048, 128>}]} {
    %get3A = arith.constant 0 : index
    %get3A_0 = arith.constant 0 : index
    %get3A_1 = vector.load %arg1[%get3A, %get3A_0] : memref<2048x128xf32, #tpu.memory_space<vmem>>, vector<2048x128xf32>
    %get3A_2 = arith.constant 0 : index
    %get3A_3 = arith.constant 0 : index
    %get3A_4 = vector.load %arg2[%get3A_2, %get3A_3] : memref<128x128xf32, #tpu.memory_space<vmem>>, vector<128x128xf32>
    %dot_general3A = arith.constant dense<0.000000e+00> : vector<2048x128xf32>
    %dot_general3A_5 = tpu.matmul %get3A_1, %get3A_4, %dot_general3A {dimension_numbers = #tpu.dot_dimension_numbers<[1], [0], [0], [1], [0, 0, 1, 1], [], []>, precision = #tpu.contract_precision<fp32>, transpose_lhs_hint = false} : vector<2048x128xf32>, vector<128x128xf32>, vector<2048x128xf32> -> vector<2048x128xf32>
    %swap3A = arith.constant 0 : index
    %swap3A_6 = arith.constant 0 : index
    %swap3A_7 = vector.load %arg3[%swap3A, %swap3A_6] : memref<2048x128xf32, #tpu.memory_space<vmem>>, vector<2048x128xf32>
    tpu.vector_store %arg3[%swap3A, %swap3A_6], %dot_general3A_5 {strides = array<i32>} : memref<2048x128xf32, #tpu.memory_space<vmem>>, vector<2048x128xf32>,
    return
  }
  func.func @transform_0(%arg0: i32) -> (i32, i32) {
    %c0_i32 = arith.constant 0 : i32
    %c0_i32_0 = arith.constant 0 : i32
    return %arg0, %c0_i32 : i32, i32
  }
  func.func @transform_1(%arg0: i32) -> (i32, i32) {
    %c0_i32 = arith.constant 0 : i32
    %c0_i32_0 = arith.constant 0 : i32
    %c0_i32_1 = arith.constant 0 : i32
    return %c0_i32, %c0_i32_0 : i32, i32
  }
  func.func @transform_2(%arg0: i32) -> (i32, i32) {
    %c0_i32 = arith.constant 0 : i32
    %c0_i32_0 = arith.constant 0 : i32
    return %arg0, %c0_i32 : i32, i32
  }
}

module attributes {stable_mosaic.version = 14 : i64} {
  func.func @_dinv_body(%arg0: memref<32x10240xf32, #tpu.memory_space<vmem>>, %arg1: memref<1x10240xf32, #tpu.memory_space<vmem>>) attributes {dimension_semantics = [], scalar_prefetch = 0 : i64, scratch_operands = 0 : i64, tpu.core_type = #tpu.core_type<tc>} {
    %get3A = arith.constant 0 : index
    %get3A_0 = arith.constant 0 : index
    %get3A_1 = vector.load %arg0[%get3A, %get3A_0] : memref<32x10240xf32, #tpu.memory_space<vmem>>, vector<32x10240xf32>
    %reduce_sum3A = arith.constant dense<0.000000e+00> : vector<10240xf32>
    %reduce_sum3A_2 = vector.multi_reduction <add>, %get3A_1, %reduce_sum3A [0] : vector<32x10240xf32> to vector<10240xf32>
    %broadcast_in_dim3A = vector.shape_cast %reduce_sum3A_2 : vector<10240xf32> to vector<1x10240xf32>
    %add3A = arith.constant 1.000000e+00 : f32
    %add3A_3 = vector.broadcast %add3A : f32 to vector<1x10240xf32>
    %add3A_4 = arith.addf %broadcast_in_dim3A, %add3A_3 : vector<1x10240xf32>
    %rsqrt3A = math.rsqrt %add3A_4 : vector<1x10240xf32>
    %swap3A = arith.constant 0 : index
    %swap3A_5 = arith.constant 0 : index
    %swap3A_6 = vector.load %arg1[%swap3A, %swap3A_5] : memref<1x10240xf32, #tpu.memory_space<vmem>>, vector<1x10240xf32>
    tpu.vector_store %arg1[%swap3A, %swap3A_5], %rsqrt3A {strides = array<i32>} : memref<1x10240xf32, #tpu.memory_space<vmem>>, vector<1x10240xf32>,
    return
  }
}

module attributes {stable_mosaic.version = 14 : i64} {
  func.func @_zscale_body(%arg0: i32, %arg1: memref<2048x128xf32, #tpu.memory_space<vmem>>, %arg2: memref<2048x1xf32, #tpu.memory_space<vmem>>, %arg3: memref<2x2048x64xf32, #tpu.memory_space<vmem>>) attributes {dimension_semantics = [#tpu.dimension_semantics<arbitrary>], iteration_bounds = array<i64: 5>, scalar_prefetch = 0 : i64, scratch_operands = 0 : i64, tpu.core_type = #tpu.core_type<tc>, window_params = [{transform_indices = @transform_0, window_bounds = array<i64: 2048, 128>}, {transform_indices = @transform_1, window_bounds = array<i64: 2048, 1>}, {transform_indices = @transform_2, window_bounds = array<i64: 2, 2048, 64>}]} {
    %get3A = arith.constant 0 : index
    %get3A_0 = arith.constant 0 : index
    %get3A_1 = vector.load %arg1[%get3A, %get3A_0] : memref<2048x128xf32, #tpu.memory_space<vmem>>, vector<2048x128xf32>
    %get3A_2 = arith.constant 0 : index
    %get3A_3 = arith.constant 0 : index
    %get3A_4 = vector.load %arg2[%get3A_2, %get3A_3] : memref<2048x1xf32, #tpu.memory_space<vmem>>, vector<2048x1xf32>
    %mul3A = vector.broadcast %get3A_4 : vector<2048x1xf32> to vector<2048x128xf32>
    %mul3A_5 = arith.mulf %get3A_1, %mul3A : vector<2048x128xf32>
    %slice3A = vector.extract_strided_slice %mul3A_5 {offsets = [0, 0], sizes = [2048, 64], strides = [1, 1]} : vector<2048x128xf32> to vector<2048x64xf32>
    %swap3A = arith.constant 0 : index
    %swap3A_6 = arith.constant 0 : index
    %swap3A_7 = arith.constant 0 : index
    %swap3A_8 = vector.load %arg3[%swap3A, %swap3A_6, %swap3A_7] : memref<2x2048x64xf32, #tpu.memory_space<vmem>>, vector<1x2048x64xf32>
    %swap3A_9 = vector.shape_cast %swap3A_8 : vector<1x2048x64xf32> to vector<2048x64xf32>
    %swap3A_10 = vector.shape_cast %slice3A : vector<2048x64xf32> to vector<1x2048x64xf32>
    tpu.vector_store %arg3[%swap3A, %swap3A_6, %swap3A_7], %swap3A_10 {strides = array<i32>} : memref<2x2048x64xf32, #tpu.memory_space<vmem>>, vector<1x2048x64xf32>,
    %slice3A_11 = vector.extract_strided_slice %mul3A_5 {offsets = [0, 64], sizes = [2048, 64], strides = [1, 1]} : vector<2048x128xf32> to vector<2048x64xf32>
    %swap3A_12 = arith.constant 1 : index
    %swap3A_13 = arith.constant 0 : index
    %swap3A_14 = arith.constant 0 : index
    %swap3A_15 = vector.load %arg3[%swap3A_12, %swap3A_13, %swap3A_14] : memref<2x2048x64xf32, #tpu.memory_space<vmem>>, vector<1x2048x64xf32>
    %swap3A_16 = vector.shape_cast %swap3A_15 : vector<1x2048x64xf32> to vector<2048x64xf32>
    %swap3A_17 = vector.shape_cast %slice3A_11 : vector<2048x64xf32> to vector<1x2048x64xf32>
    tpu.vector_store %arg3[%swap3A_12, %swap3A_13, %swap3A_14], %swap3A_17 {strides = array<i32>} : memref<2x2048x64xf32, #tpu.memory_space<vmem>>, vector<1x2048x64xf32>,
    return
  }
  func.func @transform_0(%arg0: i32) -> (i32, i32) {
    %c0_i32 = arith.constant 0 : i32
    %c0_i32_0 = arith.constant 0 : i32
    return %arg0, %c0_i32 : i32, i32
  }
  func.func @transform_1(%arg0: i32) -> (i32, i32) {
    %c0_i32 = arith.constant 0 : i32
    %c0_i32_0 = arith.constant 0 : i32
    return %arg0, %c0_i32 : i32, i32
  }
  func.func @transform_2(%arg0: i32) -> (i32, i32, i32) {
    %c0_i32 = arith.constant 0 : i32
    %c0_i32_0 = arith.constant 0 : i32
    %c0_i32_1 = arith.constant 0 : i32
    return %c0_i32, %arg0, %c0_i32_0 : i32, i32, i32
  }
}

module attributes {stable_mosaic.version = 14 : i64} {
  func.func @_head_body(%arg0: i32, %arg1: memref<2048x64xf32, #tpu.memory_space<vmem>>, %arg2: memref<2048x64xf32, #tpu.memory_space<vmem>>, %arg3: memref<2048x64xf32, #tpu.memory_space<vmem>>, %arg4: memref<2048x64xf32, #tpu.memory_space<vmem>>, %arg5: memref<2048x128xf32, #tpu.memory_space<vmem>>, %arg6: memref<2048x1xf32, #tpu.memory_space<vmem>>, %arg7: memref<1x2048xf32, #tpu.memory_space<vmem>>, %arg8: memref<1x128xf32, #tpu.memory_space<vmem>>, %arg9: memref<128x256xf32, #tpu.memory_space<vmem>>, %arg10: memref<1x256xf32, #tpu.memory_space<vmem>>, %arg11: memref<256x256xf32, #tpu.memory_space<vmem>>, %arg12: memref<1x256xf32, #tpu.memory_space<vmem>>, %arg13: memref<256x1xf32, #tpu.memory_space<vmem>>, %arg14: memref<1x1xf32, #tpu.memory_space<vmem>>, %arg15: memref<256x1xf32, #tpu.memory_space<vmem>>) attributes {dimension_semantics = [#tpu.dimension_semantics<arbitrary>], iteration_bounds = array<i64: 5>, scalar_prefetch = 0 : i64, scratch_operands = 0 : i64, tpu.core_type = #tpu.core_type<tc>, window_params = [{transform_indices = @transform_0, window_bounds = array<i64: 2048, 64>}, {transform_indices = @transform_1, window_bounds = array<i64: 2048, 64>}, {transform_indices = @transform_2, window_bounds = array<i64: 2048, 64>}, {transform_indices = @transform_3, window_bounds = array<i64: 2048, 64>}, {transform_indices = @transform_4, window_bounds = array<i64: 2048, 128>}, {transform_indices = @transform_5, window_bounds = array<i64: 2048, 1>}, {transform_indices = @transform_6, window_bounds = array<i64: 1, 2048>}, {pipeline_mode = #tpu.pipeline_mode<synchronous>, transform_indices = @transform_7, window_bounds = array<i64: 1, 128>}, {pipeline_mode = #tpu.pipeline_mode<synchronous>, transform_indices = @transform_8, window_bounds = array<i64: 128, 256>}, {pipeline_mode = #tpu.pipeline_mode<synchronous>, transform_indices = @transform_9, window_bounds = array<i64: 1, 256>}, {pipeline_mode = #tpu.pipeline_mode<synchronous>, transform_indices = @transform_10, window_bounds = array<i64: 256, 256>}, {pipeline_mode = #tpu.pipeline_mode<synchronous>, transform_indices = @transform_11, window_bounds = array<i64: 1, 256>}, {pipeline_mode = #tpu.pipeline_mode<synchronous>, transform_indices = @transform_12, window_bounds = array<i64: 256, 1>}, {pipeline_mode = #tpu.pipeline_mode<synchronous>, transform_indices = @transform_13, window_bounds = array<i64: 1, 1>}, {transform_indices = @transform_14, window_bounds = array<i64: 256, 1>}]} {
    %get3A = arith.constant 0 : index
    %get3A_0 = arith.constant 0 : index
    %get3A_1 = vector.load %arg1[%get3A, %get3A_0] : memref<2048x64xf32, #tpu.memory_space<vmem>>, vector<2048x64xf32>
    %get3A_2 = arith.constant 0 : index
    %get3A_3 = arith.constant 0 : index
    %get3A_4 = vector.load %arg3[%get3A_2, %get3A_3] : memref<2048x64xf32, #tpu.memory_space<vmem>>, vector<2048x64xf32>
    %add3A = arith.addf %get3A_1, %get3A_4 : vector<2048x64xf32>
    %get3A_5 = arith.constant 0 : index
    %get3A_6 = arith.constant 0 : index
    %get3A_7 = vector.load %arg2[%get3A_5, %get3A_6] : memref<2048x64xf32, #tpu.memory_space<vmem>>, vector<2048x64xf32>
    %get3A_8 = arith.constant 0 : index
    %get3A_9 = arith.constant 0 : index
    %get3A_10 = vector.load %arg4[%get3A_8, %get3A_9] : memref<2048x64xf32, #tpu.memory_space<vmem>>, vector<2048x64xf32>
    %add3A_11 = arith.addf %get3A_7, %get3A_10 : vector<2048x64xf32>
    %concatenate3A = tpu.concatenate %add3A, %add3A_11 in 1 : vector<2048x64xf32>, vector<2048x64xf32> -> vector<2048x128xf32>
    %get3A_12 = arith.constant 0 : index
    %get3A_13 = arith.constant 0 : index
    %get3A_14 = vector.load %arg6[%get3A_12, %get3A_13] : memref<2048x1xf32, #tpu.memory_space<vmem>>, vector<2048x1xf32>
    %mul3A = vector.broadcast %get3A_14 : vector<2048x1xf32> to vector<2048x128xf32>
    %mul3A_15 = arith.mulf %concatenate3A, %mul3A : vector<2048x128xf32>
    %get3A_16 = arith.constant 0 : index
    %get3A_17 = arith.constant 0 : index
    %get3A_18 = vector.load %arg8[%get3A_16, %get3A_17] : memref<1x128xf32, #tpu.memory_space<vmem>>, vector<1x128xf32>
    %add3A_19 = vector.broadcast %get3A_18 : vector<1x128xf32> to vector<2048x128xf32>
    %add3A_20 = arith.addf %mul3A_15, %add3A_19 : vector<2048x128xf32>
    %max3A = arith.constant 0.000000e+00 : f32
    %max3A_21 = vector.broadcast %max3A : f32 to vector<2048x128xf32>
    %max3A_22 = arith.maximumf %add3A_20, %max3A_21 : vector<2048x128xf32>
    %get3A_23 = arith.constant 0 : index
    %get3A_24 = arith.constant 0 : index
    %get3A_25 = vector.load %arg5[%get3A_23, %get3A_24] : memref<2048x128xf32, #tpu.memory_space<vmem>>, vector<2048x128xf32>
    %add3A_26 = arith.addf %max3A_22, %get3A_25 : vector<2048x128xf32>
    %iota3A = tpu.iota {dimensions = array<i32: 0>} : vector<256x2048xi32>
    %iota3A_27 = tpu.iota {dimensions = array<i32: 1>} : vector<256x2048xi32>
    %jit3A = arith.constant 8 : i32
    %div3A = vector.broadcast %jit3A : i32 to vector<256x2048xi32>
    %div3A_28 = arith.divsi %iota3A_27, %div3A : vector<256x2048xi32>
    %sign3A = arith.constant 0 : i32
    %sign3A_29 = vector.broadcast %sign3A : i32 to vector<256x2048xi32>
    %sign3A_30 = arith.cmpi sgt, %iota3A_27, %sign3A_29 : vector<256x2048xi32>
    %sign3A_31 = arith.extui %sign3A_30 : vector<256x2048xi1> to vector<256x2048xi32>
    %sign3A_32 = arith.constant 0 : i32
    %sign3A_33 = vector.broadcast %sign3A_32 : i32 to vector<256x2048xi32>
    %sign3A_34 = arith.cmpi slt, %iota3A_27, %sign3A_33 : vector<256x2048xi32>
    %sign3A_35 = arith.extui %sign3A_34 : vector<256x2048xi1> to vector<256x2048xi32>
    %sign3A_36 = arith.subi %sign3A_31, %sign3A_35 : vector<256x2048xi32>
    %sign3A_37 = arith.constant 0 : i32
    %sign3A_38 = arith.cmpi sgt, %jit3A, %sign3A_37 : i32
    %sign3A_39 = arith.extui %sign3A_38 : i1 to i32
    %sign3A_40 = arith.constant 0 : i32
    %sign3A_41 = arith.cmpi slt, %jit3A, %sign3A_40 : i32
    %sign3A_42 = arith.extui %sign3A_41 : i1 to i32
    %sign3A_43 = arith.subi %sign3A_39, %sign3A_42 : i32
    %ne3A = vector.broadcast %sign3A_43 : i32 to vector<256x2048xi32>
    %ne3A_44 = arith.cmpi ne, %sign3A_36, %ne3A : vector<256x2048xi32>
    %rem3A = vector.broadcast %jit3A : i32 to vector<256x2048xi32>
    %rem3A_45 = arith.remsi %iota3A_27, %rem3A : vector<256x2048xi32>
    %ne3A_46 = arith.constant 0 : i32
    %ne3A_47 = vector.broadcast %ne3A_46 : i32 to vector<256x2048xi32>
    %ne3A_48 = arith.cmpi ne, %rem3A_45, %ne3A_47 : vector<256x2048xi32>
    %and3A = arith.andi %ne3A_44, %ne3A_48 : vector<256x2048xi1>
    %sub3A = arith.constant 1 : i32
    %sub3A_49 = vector.broadcast %sub3A : i32 to vector<256x2048xi32>
    %sub3A_50 = arith.subi %div3A_28, %sub3A_49 : vector<256x2048xi32>
    %select_n3A = arith.select %and3A, %sub3A_50, %div3A_28 : vector<256x2048xi1>, vector<256x2048xi32>
    %eq3A = arith.cmpi eq, %select_n3A, %iota3A : vector<256x2048xi32>
    %get3A_51 = arith.constant 0 : index
    %get3A_52 = arith.constant 0 : index
    %get3A_53 = vector.load %arg7[%get3A_51, %get3A_52] : memref<1x2048xf32, #tpu.memory_space<vmem>>, vector<1x2048xf32>
    %mul3A_54 = arith.constant 1.000000e+01 : f32
    %mul3A_55 = vector.broadcast %mul3A_54 : f32 to vector<1x2048xf32>
    %mul3A_56 = arith.mulf %get3A_53, %mul3A_55 : vector<1x2048xf32>
    %jit3A_57 = arith.constant 0.000000e+00 : f32
    %broadcast_in_dim3A = vector.shape_cast %mul3A_56 : vector<1x2048xf32> to vector<1x2048xf32>
    %broadcast_in_dim3A_58 = vector.broadcast %broadcast_in_dim3A : vector<1x2048xf32> to vector<256x2048xf32>
    %broadcast_in_dim3A_59 = vector.broadcast %jit3A_57 : f32 to vector<256x2048xf32>
    %select_n3A_60 = arith.select %eq3A, %broadcast_in_dim3A_58, %broadcast_in_dim3A_59 : vector<256x2048xi1>, vector<256x2048xf32>
    %dot_general3A = arith.constant dense<0.000000e+00> : vector<256x128xf32>
    %dot_general3A_61 = tpu.matmul %select_n3A_60, %add3A_26, %dot_general3A {dimension_numbers = #tpu.dot_dimension_numbers<[1], [0], [0], [1], [0, 0, 1, 1], [], []>, precision = #tpu.contract_precision<fp32>, transpose_lhs_hint = false} : vector<256x2048xf32>, vector<2048x128xf32>, vector<256x128xf32> -> vector<256x128xf32>
    %get3A_62 = arith.constant 0 : index
    %get3A_63 = arith.constant 0 : index
    %get3A_64 = vector.load %arg9[%get3A_62, %get3A_63] : memref<128x256xf32, #tpu.memory_space<vmem>>, vector<128x256xf32>
    %dot_general3A_65 = arith.constant dense<0.000000e+00> : vector<256x256xf32>
    %dot_general3A_66 = tpu.matmul %dot_general3A_61, %get3A_64, %dot_general3A_65 {dimension_numbers = #tpu.dot_dimension_numbers<[1], [0], [0], [1], [0, 0, 1, 1], [], []>, precision = #tpu.contract_precision<fp32>, transpose_lhs_hint = false} : vector<256x128xf32>, vector<128x256xf32>, vector<256x256xf32> -> vector<256x256xf32>
    %get3A_67 = arith.constant 0 : index
    %get3A_68 = arith.constant 0 : index
    %get3A_69 = vector.load %arg10[%get3A_67, %get3A_68] : memref<1x256xf32, #tpu.memory_space<vmem>>, vector<1x256xf32>
    %add3A_70 = vector.broadcast %get3A_69 : vector<1x256xf32> to vector<256x256xf32>
    %add3A_71 = arith.addf %dot_general3A_66, %add3A_70 : vector<256x256xf32>
    %max3A_72 = arith.constant 0.000000e+00 : f32
    %max3A_73 = vector.broadcast %max3A_72 : f32 to vector<256x256xf32>
    %max3A_74 = arith.maximumf %add3A_71, %max3A_73 : vector<256x256xf32>
    %get3A_75 = arith.constant 0 : index
    %get3A_76 = arith.constant 0 : index
    %get3A_77 = vector.load %arg11[%get3A_75, %get3A_76] : memref<256x256xf32, #tpu.memory_space<vmem>>, vector<256x256xf32>
    %dot_general3A_78 = arith.constant dense<0.000000e+00> : vector<256x256xf32>
    %dot_general3A_79 = tpu.matmul %max3A_74, %get3A_77, %dot_general3A_78 {dimension_numbers = #tpu.dot_dimension_numbers<[1], [0], [0], [1], [0, 0, 1, 1], [], []>, precision = #tpu.contract_precision<fp32>, transpose_lhs_hint = false} : vector<256x256xf32>, vector<256x256xf32>, vector<256x256xf32> -> vector<256x256xf32>
    %get3A_80 = arith.constant 0 : index
    %get3A_81 = arith.constant 0 : index
    %get3A_82 = vector.load %arg12[%get3A_80, %get3A_81] : memref<1x256xf32, #tpu.memory_space<vmem>>, vector<1x256xf32>
    %add3A_83 = vector.broadcast %get3A_82 : vector<1x256xf32> to vector<256x256xf32>
    %add3A_84 = arith.addf %dot_general3A_79, %add3A_83 : vector<256x256xf32>
    %max3A_85 = arith.constant 0.000000e+00 : f32
    %max3A_86 = vector.broadcast %max3A_85 : f32 to vector<256x256xf32>
    %max3A_87 = arith.maximumf %add3A_84, %max3A_86 : vector<256x256xf32>
    %get3A_88 = arith.constant 0 : index
    %get3A_89 = arith.constant 0 : index
    %get3A_90 = vector.load %arg13[%get3A_88, %get3A_89] : memref<256x1xf32, #tpu.memory_space<vmem>>, vector<256x1xf32>
    %dot_general3A_91 = arith.constant dense<0.000000e+00> : vector<256x1xf32>
    %dot_general3A_92 = tpu.matmul %max3A_87, %get3A_90, %dot_general3A_91 {dimension_numbers = #tpu.dot_dimension_numbers<[1], [0], [0], [1], [0, 0, 1, 1], [], []>, precision = #tpu.contract_precision<fp32>, transpose_lhs_hint = false} : vector<256x256xf32>, vector<256x1xf32>, vector<256x1xf32> -> vector<256x1xf32>
    %get3A_93 = arith.constant 0 : index
    %get3A_94 = arith.constant 0 : index
    %get3A_95 = vector.load %arg14[%get3A_93, %get3A_94] : memref<1x1xf32, #tpu.memory_space<vmem>>, vector<1x1xf32>
    %add3A_96 = vector.broadcast %get3A_95 : vector<1x1xf32> to vector<256x1xf32>
    %add3A_97 = arith.addf %dot_general3A_92, %add3A_96 : vector<256x1xf32>
    %swap3A = arith.constant 0 : index
    %swap3A_98 = arith.constant 0 : index
    %swap3A_99 = vector.load %arg15[%swap3A, %swap3A_98] : memref<256x1xf32, #tpu.memory_space<vmem>>, vector<256x1xf32>
    tpu.vector_store %arg15[%swap3A, %swap3A_98], %add3A_97 {strides = array<i32>} : memref<256x1xf32, #tpu.memory_space<vmem>>, vector<256x1xf32>,
    return
  }
  func.func @transform_0(%arg0: i32) -> (i32, i32) {
    %c0_i32 = arith.constant 0 : i32
    %c0_i32_0 = arith.constant 0 : i32
    return %arg0, %c0_i32 : i32, i32
  }
  func.func @transform_1(%arg0: i32) -> (i32, i32) {
    %c0_i32 = arith.constant 0 : i32
    %c0_i32_0 = arith.constant 0 : i32
    return %arg0, %c0_i32 : i32, i32
  }
  func.func @transform_2(%arg0: i32) -> (i32, i32) {
    %c0_i32 = arith.constant 0 : i32
    %c0_i32_0 = arith.constant 0 : i32
    return %arg0, %c0_i32 : i32, i32
  }
  func.func @transform_3(%arg0: i32) -> (i32, i32) {
    %c0_i32 = arith.constant 0 : i32
    %c0_i32_0 = arith.constant 0 : i32
    return %arg0, %c0_i32 : i32, i32
  }
  func.func @transform_4(%arg0: i32) -> (i32, i32) {
    %c0_i32 = arith.constant 0 : i32
    %c0_i32_0 = arith.constant 0 : i32
    return %arg0, %c0_i32 : i32, i32
  }
  func.func @transform_5(%arg0: i32) -> (i32, i32) {
    %c0_i32 = arith.constant 0 : i32
    %c0_i32_0 = arith.constant 0 : i32
    return %arg0, %c0_i32 : i32, i32
  }
  func.func @transform_6(%arg0: i32) -> (i32, i32) {
    %c0_i32 = arith.constant 0 : i32
    %c0_i32_0 = arith.constant 0 : i32
    return %c0_i32, %arg0 : i32, i32
  }
  func.func @transform_7(%arg0: i32) -> (i32, i32) {
    %c0_i32 = arith.constant 0 : i32
    %c0_i32_0 = arith.constant 0 : i32
    %c0_i32_1 = arith.constant 0 : i32
    return %c0_i32, %c0_i32_0 : i32, i32
  }
  func.func @transform_8(%arg0: i32) -> (i32, i32) {
    %c0_i32 = arith.constant 0 : i32
    %c0_i32_0 = arith.constant 0 : i32
    %c0_i32_1 = arith.constant 0 : i32
    return %c0_i32, %c0_i32_0 : i32, i32
  }
  func.func @transform_9(%arg0: i32) -> (i32, i32) {
    %c0_i32 = arith.constant 0 : i32
    %c0_i32_0 = arith.constant 0 : i32
    %c0_i32_1 = arith.constant 0 : i32
    return %c0_i32, %c0_i32_0 : i32, i32
  }
  func.func @transform_10(%arg0: i32) -> (i32, i32) {
    %c0_i32 = arith.constant 0 : i32
    %c0_i32_0 = arith.constant 0 : i32
    %c0_i32_1 = arith.constant 0 : i32
    return %c0_i32, %c0_i32_0 : i32, i32
  }
  func.func @transform_11(%arg0: i32) -> (i32, i32) {
    %c0_i32 = arith.constant 0 : i32
    %c0_i32_0 = arith.constant 0 : i32
    %c0_i32_1 = arith.constant 0 : i32
    return %c0_i32, %c0_i32_0 : i32, i32
  }
  func.func @transform_12(%arg0: i32) -> (i32, i32) {
    %c0_i32 = arith.constant 0 : i32
    %c0_i32_0 = arith.constant 0 : i32
    %c0_i32_1 = arith.constant 0 : i32
    return %c0_i32, %c0_i32_0 : i32, i32
  }
  func.func @transform_13(%arg0: i32) -> (i32, i32) {
    %c0_i32 = arith.constant 0 : i32
    %c0_i32_0 = arith.constant 0 : i32
    %c0_i32_1 = arith.constant 0 : i32
    return %c0_i32, %c0_i32_0 : i32, i32
  }
  func.func @transform_14(%arg0: i32) -> (i32, i32) {
    %c0_i32 = arith.constant 0 : i32
    %c0_i32_0 = arith.constant 0 : i32
    return %arg0, %c0_i32 : i32, i32
  }
}

</mosaic_0001>

<sc_bundles>
// kernel: kernel.11.cloned.1.call-start
scs
__scs_entry_jumppad:
0x0: {  	(pc) =	sbr.rel $0x88, $3  }
0x1: {  	(tag) =	ssettag $0x0;
	lr =	simm.s32 $0x1  }
0x2: {  	[smem:$0x3F96] =	sst lr;
	_ =	strace $0xD0000000  }
0x3: {  	_ = 	snop  }
0x4: {  	_ = 	snop  }
0x5: {  	_ = 	snop  }
0x6: {  	_ = 	snop  }
0x7: {  	_ = 	snop  }
__scs_overlays_trampoline_lowered:
0x8: {  	[smem:$0x3FA5] =	sst s0  }
0x9: {  	[smem:$0x3FA6] =	sst s1  }
0xa: {  	[smem:$0x3FA7] =	sst s2  }
0xb: {  	[smem:$0x3FA8] =	sst s3  }
0xc: {  	[smem:$0x3FA9] =	sst s4  }
0xd: {  	[smem:$0x3FAA] =	sst s5  }
0xe: {  	[smem:$0x3FAB] =	sst s6  }
0xf: {  	[smem:$0x3FAC] =	sst s7  }
0x10: {  	[smem:$0x3FAD] =	sst s8  }
0x11: {  	[smem:$0x3FAE] =	sst s9;
	s0 =	simm.s32 @!p0 $0x0  }
0x12: {  	s1 =	sld [smem:$0x3F94];
	s0 =	simm.s32 @p0 $0x1  }
0x13: {  	[smem:$0x3FAF] =	sst s0;
	s0 =	simm.s32 @!p1 $0x0  }
0x14: {  	s2 =	sld [smem:$0x3F93];
	s0 =	simm.s32 @p1 $0x1  }
0x15: {  	[smem:$0x3FB0] =	sst s0;
	s0 =	simm.s32 @!p2 $0x0  }
0x16: {  	s3 =	sld [smem:$0x3FDB];
	s0 =	simm.s32 @p2 $0x1  }
0x17: {  	s4 =	simm.s32 $0x1BF5;
	[smem:$0x3FB2] =	sst s0  }
0x18: {  	s0 =	sld [smem:$0x3F95];
	_ =	swait.ge [sflag:s4], $0x0  }
0x19: {  	s7 =	sld [smem:$0x3F96]  }
0x1a: {  	s8 =	sadd.s32 $0xFFFFE003, lr  }
0x1b: {  	s9 =	sadd.s32 $0xFFFFFEF7, lr;
	s5 =	simm.s32 $0xFFFFFFFF;
	p2 =	slt.u32 s8, $0xFFFFF086  }
0x1c: {  	p1 =	slt.u32 s9, $0xF7A;
	s5 =	simm.s32 @!p2 $0x0  }
0x1d: {  	s5 =	simm.s32 @p1 $0x1;
	p0 =	seq.s32 s7, s2  }
0x1e: {  	s7 =	smul.u32 @!p0 $0xF7A, s2;
	p2 =	seq.s32 @!p0 s5, $0x0  }
0x1f: {  	s9 =	smul.u32 $0xF7A, s1;
	s8 =	simm.s32 @!p0 $0x1BF5;
	p2 =	por !p2, p0  }
0x20: {  	[sflag:s8] =	ssyncset.s32 @!p0 $0xFFFFF086;
	s6 =	sadd.s32 @!p0 s3, s7;
	s7 =	simm.s32 @!p0 $0x108  }
0x21: {  	s3 =	sadd.s32 s3, s9;
	s6 =	sadd.s32 @!p0 $0x88, s6;
	s7 =	simm.s32 @p2 $0x1082  }
0x22: {  	[simem:s7], [sflag:s8] =	dma.local @!p0 [hbm:s6], $0xF7A  }
0x23: {  	s9 =	sor.u32 $0xD0000000, s2;
	s6 =	simm.s32 $0x108;
	_ =	swait.ge @!p0 [sflag:s8], $0x0  }
0x24: {  	s3 =	sadd.s32 $0x88, s3;
	s6 =	simm.s32 @!p1 $0x1082;
	[sflag:s4] =	ssyncset.s32 $0xFFFFF086  }
0x25: {  	[simem:s6], [sflag:s4] =	dma.local [hbm:s3], $0xF7A  }
0x26: {  	[smem:$0x3F96] =	sst s1;
	(tag) =	ssettag s2;
	_ =	strace s9  }
0x27: {  	s1 =	sld [smem:$0x3FA6]  }
0x28: {  	s2 =	sld [smem:$0x3FA7]  }
0x29: {  	s4 =	sld [smem:$0x3FA9]  }
0x2a: {  	p0 =	seq.s32 s5, $0x0;
	s5 =	sld [smem:$0x3FAA]  }
0x2b: {  	s6 =	sld [smem:$0x3FAB]  }
0x2c: {  	s7 =	sld [smem:$0x3FAC]  }
0x2d: {  	s3 =	simm.s32 $0x108;
	s8 =	sld [smem:$0x3FAD]  }
0x2e: {  	s3 =	simm.s32 @!p0 $0x1082;
	s9 =	sld [smem:$0x3FAE]  }
0x2f: {  	lr =	sadd.s32 s0, s3;
	s0 =	sld [smem:$0x3FA5]  }
0x30: {  	s3 =	sld [smem:$0x3FA8]  }
0x31: {  	[smem:$0x3FB1] =	sst s10  }
0x32: {  	s10 =	sld [smem:$0x3FAF];
	_ =	sdelay $0x3  }
0x33: {  	p0 =	seq.s32 s10, $0x1;
	s10 =	sld [smem:$0x3FB1];
	_ =	sdelay $0x3  }
0x34: {  	[smem:$0x3FB1] =	sst s10  }
0x35: {  	s10 =	sld [smem:$0x3FB0];
	_ =	sdelay $0x3  }
0x36: {  	p1 =	seq.s32 s10, $0x1;
	s10 =	sld [smem:$0x3FB1];
	_ =	sdelay $0x3  }
0x37: {  	[smem:$0x3FB1] =	sst s10  }
0x38: {  	s10 =	sld [smem:$0x3FB2]  }
0x39: {  	_ = 	snop;
	(pc) =	sbr.ind lr, $3  }
0x3a: {  	_ = 	snop  }
0x3b: {  	_ = 	snop  }
0x3c: {  	p2 =	seq.s32 s10, $0x1;
	s10 =	sld [smem:$0x3FB1]  }
0x3d: {  	_ =	shalt  }
0x3e: {  	_ =	shalt  }
0x3f: {  	_ =	shalt  }
0x40: {  	_ =	shalt  }
0x41: {  	_ =	shalt  }
0x42: {  	_ =	shalt  }
0x43: {  	_ =	shalt  }
0x44: {  	_ =	shalt  }
0x45: {  	_ =	shalt  }
0x46: {  	_ =	shalt  }
0x47: {  	_ =	shalt  }
0x48: {  	_ =	shalt  }
0x49: {  	_ =	shalt  }
0x4a: {  	_ =	shalt  }
0x4b: {  	_ =	shalt  }
0x4c: {  	_ =	shalt  }
0x4d: {  	_ =	shalt  }
0x4e: {  	_ =	shalt  }
0x4f: {  	_ =	shalt  }
0x50: {  	_ =	shalt  }
0x51: {  	_ =	shalt  }
0x52: {  	_ =	shalt  }
0x53: {  	_ =	shalt  }
0x54: {  	_ =	shalt  }
0x55: {  	_ =	shalt  }
0x56: {  	_ =	shalt  }
0x57: {  	_ =	shalt  }
0x58: {  	_ =	shalt  }
0x59: {  	_ =	shalt  }
0x5a: {  	_ =	shalt  }
0x5b: {  	_ =	shalt  }
0x5c: {  	_ =	shalt  }
0x5d: {  	_ =	shalt  }
0x5e: {  	_ =	shalt  }
0x5f: {  	_ =	shalt  }
0x60: {  	_ =	shalt  }
0x61: {  	_ =	shalt  }
0x62: {  	_ =	shalt  }
0x63: {  	_ =	shalt  }
0x64: {  	_ =	shalt  }
0x65: {  	_ =	shalt  }
0x66: {  	_ =	shalt  }
0x67: {  	_ =	shalt  }
0x68: {  	_ =	shalt  }
0x69: {  	_ =	shalt  }
0x6a: {  	_ =	shalt  }
0x6b: {  	_ =	shalt  }
0x6c: {  	_ =	shalt  }
0x6d: {  	_ =	shalt  }
0x6e: {  	_ =	shalt  }
0x6f: {  	_ =	shalt  }
0x70: {  	_ =	shalt  }
0x71: {  	_ =	shalt  }
0x72: {  	_ =	shalt  }
0x73: {  	_ =	shalt  }
0x74: {  	_ =	shalt  }
0x75: {  	_ =	shalt  }
0x76: {  	_ =	shalt  }
0x77: {  	_ =	shalt  }
0x78: {  	_ =	shalt  }
0x79: {  	_ =	shalt  }
0x7a: {  	_ =	shalt  }
0x7b: {  	_ =	shalt  }
0x7c: {  	_ =	shalt  }
0x7d: {  	_ =	shalt  }
0x7e: {  	_ =	shalt  }
0x7f: {  	_ =	shalt  }
0x80: {  	_ =	shalt  }
0x81: {  	_ =	shalt  }
0x82: {  	_ =	shalt  }
0x83: {  	_ =	shalt  }
0x84: {  	_ =	shalt  }
0x85: {  	_ =	shalt  }
0x86: {  	_ =	shalt  }
0x87: {  	_ =	shalt  }
.Lfunc_end0:
.L_simem_size_0:
called_computation.1_lowered:
.L_overlay_start_0:
0x88: {  	s2 =	sld [smem:$0x3FD9]  }
0x89: {  	s3 =	sld [smem:$0x3FFE];
	_ =	sdelay $0x1  }
0x8a: {  	s1 =	srdreg.scid  }
0x8b: {  	s0 =	sand.u32 $0x1, s1  }
0x8c: {  	s16 =	sshll.u32 s0, $0xA;
	s2 =	sadd.s32 s3, s2  }
0x8d: {  	s2 =	sadd.s32 s2, s16  }
0x8e: {  	[smem:$0x3FBD] =	sst s2  }
0x8f: {  	_ = 	snop  }
0x90: {  	(tm) =	ssettm $0x1  }
0x91: {  	s17 =	sld [smem:$0x3FFB];
	_ =	sdelay $0x3  }
0x92: {  	_ =	strace s17  }
0x93: {  	s2 =	sld [smem:$0x3FFC];
	_ =	sdelay $0x3  }
0x94: {  	_ =	strace s2  }
0x95: {  	s2 =	sld [smem:$0x3FFD];
	_ =	sdelay $0x3  }
0x96: {  	_ =	strace s2  }
0x97: {  	_ =	strace $0x8FFFFFFF  }
0x98: {  	s18 =	sld [smem:$0x3FDB];
	_ =	sdelay $0x1  }
0x99: {  	s19 =	simm.s32 $_scs_section_size  }
0x9a: {  	s4 =	simm.s32 $_size__tile_overlayer_lowered;
	s5 =	simm.s32 $_tile_overlayer_lowered  }
0x9b: {  	s22 =	simm.s32 $0x1BFF;
	s21 =	sshll.u32 s5, $0x1;
	s2 =	sadd.s32 s19, s18  }
0x9c: {  	s6 =	simm.s32 $0x0;
	s20 =	sshll.u32 s4, $0x1;
	s4 =	sadd.s32 s21, s2  }
0x9d: {  	[timem:s6], [sflag:s22] =	dma.local [hbm:s4], s20  }
0x9e: {  	_ =	swait.ge [sflag:s22], s20  }
0x9f: {  	s3 =	ssub.s32 $0x0, s20;
	[sflag:s22] =	ssyncset.done $0x0  }
0xa0: {  	[sflag:s22] =	ssyncadd.s32 s3;
	_ =	sdelay $0x1  }
0xa1: {  	s23 =	simm.s32 $0x1B8B  }
0xa2: {  	_ =	swait.ge [sflag:s23], $0x1  }
0xa3: {  	[sflag:s23] =	ssyncset.done $0x0  }
0xa4: {  	s25 =	simm.s32 $0x1B8E;
	s24 =	sld [smem:$0x3FFE];
	[sflag:s23] =	ssyncadd.s32 $0xFFFFFFFF  }
0xa5: {  	s26 =	simm.s32 $execute0_lowered;
	[smem:$0x3FD2] =	sst s25  }
0xa6: {  	s4 =	sshll.u32 s26, $0x1;
	_ =	strace $0x80000049;
	[dreg:$0x1] =	wrdreg $0xFFFFFFFF  }
0xa7: {  	s28 =	simm.s32 $_size_execute0_lowered;
	s2 =	sadd.s32 s2, s4;
	[dreg:$0x0] =	wrdreg $0x0  }
0xa8: {  	s4 =	sshll.u32 s28, $0x1;
	[dreg:$0x2] =	wrdreg s2  }
0xa9: {  	[dreg:$0x3] =	wrdreg s4  }
0xaa: {  	[dreg:$0x4] =	wrdreg $0xC0  }
0xab: {  	_ =	task [dreg:s6], $0x5FFFF  }
0xac: {  	[dreg:$0x1] =	wrdreg $0xFFFFFFFF  }
0xad: {  	[dreg:$0x0] =	wrdreg $0x60  }
0xae: {  	[dreg:$0x2] =	wrdreg s24  }
0xaf: {  	[dreg:$0x3] =	wrdreg $0x84000  }
0xb0: {  	[dreg:$0x4] =	wrdreg $0x124000  }
0xb1: {  	[dreg:$0x5] =	wrdreg $0x9  }
0xb2: {  	_ =	task.clear_ibuf [dreg:s6], $0x6FFFF;
	_ =	strace $0x90000049  }
0xb3: {  	s29 =	simm.s32 $0x9;
	_ =	strace $0x8000004B  }
0xb4: {  	_ =	swait.ge [sflag:s29], $0x1  }
0xb5: {  	[sflag:s29] =	ssyncadd.s32 $0xFFFFFFFF  }
0xb6: {  	_ =	strace $0x9000004B  }
0xb7: {  	_ =	sfence  }
0xb8: {  	s30 =	sld [smem:$0x0];
	_ =	sdelay $0x2  }
0xb9: {  	s31 =	sshll.u32 s1, $0xD;
	s1 =	sshrl.u32 s1, $0x2  }
0xba: {  	s3 =	sand.u32 $0x4000, s31;
	s1 =	sadd.s32 s1, s30  }
0xbb: {  	s0 =	sor.u32 s3, s0;
	s1 =	sshll.u32 s1, $0x11  }
0xbc: {  	s0 =	sor.u32 s1, s0  }
0xbd: {  	s0 =	sadd.s32 $0x8F2B, s0  }
0xbe: {  	[sflag:s0] =	ssyncadd.remote.s32 $0x1  }
0xbf: {  	_ =	sfence.sel $0xFFFF  }
0xc0: {  	[dreg:$0x0] =	wrdreg $0xFFFFFFFF;
	(pc) =	sbr.abs _section_cstart, $3  }
0xc1: {  	[dreg:$0x1] =	wrdreg $0xFFFFFFFF  }
0xc2: {  	_ =	task.clear_ibuf [dreg:s6], $0x2FFFF;
	_ =	strace $0x9FFFFFFF  }
0xc3: {  	(tm) =	ssettm $0x7FFFFFFF  }
tec
execute0_lowered:
.L_overlay_start_1:
0x0: {  	(tag) =	ssettag $0x1  }
0x1: {  	s0 =	rddreg [dreg:$0x0]  }
0x2: {  	s1 =	rddreg [dreg:$0x1]  }
0x3: {  	s2 =	rddreg [dreg:$0x2];
	s14 =	stileid.u32  }
0x4: {  	s3 =	simm.s32 $0x0;
	s4 =	srdreg.scid;
	s7 =	smul.u32 $0xA000, s14  }
0x5: {  	s31 =	simm.s32 $0x300;
	s28 =	simm.s32 $0x380;
	s10 =	smul.u32 $0x28000, s14  }
0x6: {  	s29 =	simm.s32 $0x6400;
	[smem:$0x7FF] =	sst s3;
	s13 =	smul.u32 $0x5000, s14  }
0x7: {  	s4 =	sand.u32 $0x1, s4;
	s8 =	sadd.s32 $0x15E00, s0;
	s24 =	smul.u32 $0xA00, s14  }
0x8: {  	s30 =	sshll.u32 s14, $0x6;
	s14 =	simm.s32 $0x0;
	s5 =	smul.u32 $0x14000, s4  }
0x9: {  	_ =	strace $0x8000004A;
	s4 =	ssub.s32 $0x2, s4;
	s15 =	sor.u32 $0x1C09, s30  }
0xa: {  	s6 =	sshrl.u32 s4, $0x1;
	s9 =	sshrl.u32 s7, $0x3;
	s11 =	sadd.s32 s7, s1  }
0xb: {  	s26 =	sshrl.u32 s10, $0x2;
	s21 =	sadd.s32 s7, s2;
	s13 =	sshrl.u32 s13, $0x3  }
0xc: {  	[dreg:$0x5] =	wrdreg s15;
	s5 =	sadd.s32 s5, s0;
	s17 =	sadd.s32 s8, s13  }
0xd: {  	s12 =	sadd.s32 s26, s2;
	s26 =	sshrl.u32 s11, $0x3;
	[dreg:$0xa] =	wrdreg s17  }
0xe: {  	s0 =	sadd.s32 $0x1E00, s0;
	s7 =	sadd.s32 $0x4000, s12;
	[dreg:$0x11] =	wrdreg s26  }
0xf: {  	s4 =	ssub.s32 s4, s6;
	s10 =	sadd.s32 $0x6000, s12;
	[dreg:$0x7] =	wrdreg s7  }
0x10: {  	s18 =	sor.u32 $0x10, s13;
	s16 =	sadd.s32 $0x8000, s12;
	[dreg:$0x8] =	wrdreg s10  }
0x11: {  	s25 =	sadd.s32 s9, s5;
	s19 =	sadd.s32 s0, s13;
	[dreg:$0x9] =	wrdreg s16  }
0x12: {  	s20 =	sadd.s32 s8, s18;
	s22 =	sadd.s32 s0, s18;
	[dreg:$0xb] =	wrdreg s19  }
0x13: {  	s5 =	sadd.s32 $0x97E00, s5;
	s4 =	smax.u32 s4, $0x1;
	[dreg:$0xc] =	wrdreg s20  }
0x14: {  	s26 =	simm.s32 $0x80;
	s6 =	sadd.s32 $0x6FE00, s25;
	[dreg:$0xd] =	wrdreg s22  }
0x15: {  	s10 =	sor.u32 $0x20, s13;
	[dreg:$0x10] =	wrdreg s4;
	s19 =	sadd.s32 s24, s0  }
0x16: {  	s20 =	sadd.s32 s24, s8;
	s22 =	simm.s32 $0x9;
	s30 =	sadd.s32 s9, s5  }
0x17: {  	s4 =	simm.s32 $0x180;
	s5 =	simm.s32 $0x1;
	[dreg:$0x4] =	wrdreg s6  }
0x18: {  	s9 =	simm.s32 $0x4;
	s6 =	sadd.s32 $0x2000, s12;
	[dreg:$0x12] =	wrdreg s30  }
0x19: {  	s23 =	sadd.s32 s8, s10;
	s25 =	sadd.s32 s0, s10;
	[dreg:$0x6] =	wrdreg s6  }
0x1a: {  	s0 =	simm.s32 $0x4400;
	s8 =	simm.s32 $0x3;
	[dreg:$0xe] =	wrdreg s23  }
0x1b: {  	v0 =	vimm.f32 $0.0e+00;
	[dreg:$0xf] =	wrdreg s25;
	s23 =	simm.s32 $0x400;
	s25 =	simm.s32 $0x200  }
.LBB2_1:
0x1c: {  	s6 =	rddreg [dreg:$0x4]  }
0x1d: {  	s7 =	rddreg [dreg:$0x11]  }
0x1e: {  	[spmem:s7], [sflag:s15] =	dma.local [hbm:s6], $0x1400  }
0x1f: {  	s30 =	sand.u32 $0x7F00, s3;
	s16 =	sand.u32 $0x30, s3;
	_ =	swait.ge [sflag:s22], $0x1400  }
0x20: {  	s17 =	sshrl.u32 s30, $0x2;
	s15 =	simm.s32 $0x40;
	[sflag:s22] =	ssyncset.done $0x0  }
0x21: {  	s17 =	sor.u32 s16, s17;
	s16 =	simm.s32 $0x0;
	[sflag:s22] =	ssyncadd.s32 $0xFFFFEC00  }
.LBB2_2:
0x22: {  	p0 =	sne.s32 s15, $0x7FC0  }
0x23: {  	[tilespmem:s17+$0x400] =	vst v0;
	s16 =	sadd.s32 $0x10, s16;
	s17 =	smov.u32 s15;
	s15 =	sadd.s32 $0x40, s15  }
.Ltmp0:
0x24: {  	(pc) =	sbr.rel @p0 .LBB2_2-.Ltmp0, $4  }
0x25: {  	_ = 	snop  }
0x26: {  	s17 =	sand.u32 $0x7F00, s17  }
0x27: {  	s18 =	sand.u32 $0x30, s16;
	s17 =	sshrl.u32 s17, $0x2  }
0x28: {  	s17 =	sor.u32 s18, s17  }
0x29: {  	[tilespmem:s17+$0x400] =	vst v0  }
0x2a: {  	[spmem:s21] =	stream.linear.scatter [tilespmem:s23], [sflag:$0x9], $0x2000, $0x38;
	[tilespmem:$0x1C400] =	vst v63  }
0x2b: {  	_ =	swait.ge [sflag:s22], $0x2000  }
0x2c: {  	[sflag:s22] =	ssyncset.done $0x0  }
0x2d: {  	s6 =	rddreg [dreg:$0x6];
	[sflag:s22] =	ssyncadd.s32 $0xFFFFE000  }
0x2e: {  	[spmem:s6] =	stream.linear.scatter [tilespmem:s23], [sflag:$0x9], $0x2000, $0x38;
	[tilespmem:$0x1C400] =	vst v63  }
0x2f: {  	_ =	swait.ge [sflag:s22], $0x2000  }
0x30: {  	[sflag:s22] =	ssyncset.done $0x0  }
0x31: {  	s24 =	rddreg [dreg:$0x7];
	[sflag:s22] =	ssyncadd.s32 $0xFFFFE000  }
0x32: {  	[spmem:s24] =	stream.linear.scatter [tilespmem:s23], [sflag:$0x9], $0x2000, $0x38;
	[tilespmem:$0x1C400] =	vst v63  }
0x33: {  	_ =	swait.ge [sflag:s22], $0x2000  }
0x34: {  	[sflag:s22] =	ssyncset.done $0x0  }
0x35: {  	s30 =	rddreg [dreg:$0x8];
	[sflag:s22] =	ssyncadd.s32 $0xFFFFE000  }
0x36: {  	[spmem:s30] =	stream.linear.scatter [tilespmem:s23], [sflag:$0x9], $0x2000, $0x38;
	[tilespmem:$0x1C400] =	vst v63  }
0x37: {  	_ =	swait.ge [sflag:s22], $0x2000  }
0x38: {  	[sflag:s22] =	ssyncset.done $0x0  }
0x39: {  	s10 =	rddreg [dreg:$0x9];
	[sflag:s22] =	ssyncadd.s32 $0xFFFFE000  }
0x3a: {  	[spmem:s10] =	stream.linear.scatter [tilespmem:s23], [sflag:$0x9], $0x2000, $0x38;
	[tilespmem:$0x1C400] =	vst v63  }
0x3b: {  	_ =	swait.ge [sflag:s22], $0x2000  }
0x3c: {  	[sflag:s22] =	ssyncset.done $0x0  }
0x3d: {  	[sflag:s22] =	ssyncadd.s32 $0xFFFFE000  }
0x3e: {  	[bflag:$0x0] =	sbarrier.arrive $0xFFFF  }
0x3f: {  	s15 =	simm.s32 $0x0;
	s11 =	rddreg [dreg:$0xa]  }
0x40: {  	[tilespmem:s15], [sflag:$0x9] =	stream.linear.gather [hbm4b:s11+s15], $0x80, $0x38;
	[tilespmem:$0x1C400] =	vst v63  }
0x41: {  	_ =	swait.ge [sflag:s22], $0x80  }
0x42: {  	[sflag:s22] =	ssyncset.done $0x0  }
0x43: {  	s12 =	rddreg [dreg:$0xb];
	[sflag:s22] =	ssyncadd.s32 $0xFFFFFF80  }
0x44: {  	[tilespmem:s25], [sflag:$0x9] =	stream.linear.gather [hbm4b:s12+s15], $0x80, $0x38;
	[tilespmem:$0x1C400] =	vst v63  }
0x45: {  	_ =	swait.ge [sflag:s22], $0x80  }
0x46: {  	[sflag:s22] =	ssyncset.done $0x0  }
0x47: {  	[sflag:s22] =	ssyncadd.s32 $0xFFFFFF80  }
0x48: {  	[tilespmem:s23], [sflag:$0x1] =	stream.indirect.gather [spmem:s1], $0x40, s15, s26, $0xb8;
	[tilespmem:$0x1C400] =	vst v63  }
0x49: {  	s13 =	rddreg [dreg:$0xc]  }
0x4a: {  	[tilespmem:s26], [sflag:$0x9] =	stream.linear.gather [hbm4b:s13+s15], $0x80, $0x38;
	[tilespmem:$0x1C400] =	vst v63  }
0x4b: {  	_ =	swait.ge [sflag:s22], $0x80  }
0x4c: {  	[sflag:s22] =	ssyncset.done $0x0  }
0x4d: {  	s10 =	simm.s32 $0x280;
	s16 =	rddreg [dreg:$0xd];
	[sflag:s22] =	ssyncadd.s32 $0xFFFFFF80  }
0x4e: {  	[tilespmem:s10], [sflag:$0x9] =	stream.linear.gather [hbm4b:s16+s15], $0x80, $0x38;
	[tilespmem:$0x1C400] =	vst v63  }
0x4f: {  	_ =	swait.ge [sflag:s22], $0x80  }
0x50: {  	[sflag:s22] =	ssyncset.done $0x0  }
0x51: {  	s17 =	simm.s32 $0x2400;
	[sflag:s22] =	ssyncadd.s32 $0xFFFFFF80  }
0x52: {  	[tilespmem:s17], [sflag:$0x2] =	stream.indirect.gather [spmem:s1], $0x40, s26, s26, $0xb8;
	[tilespmem:$0x1C400] =	vst v63  }
0x53: {  	s7 =	smov.u32 s21;
	s21 =	simm.s32 $0x100;
	s18 =	rddreg [dreg:$0xe]  }
0x54: {  	[tilespmem:s21], [sflag:$0x9] =	stream.linear.gather [hbm4b:s18+s15], $0x80, $0x38;
	[tilespmem:$0x1C400] =	vst v63  }
0x55: {  	_ =	swait.ge [sflag:s22], $0x80  }
0x56: {  	[sflag:s22] =	ssyncset.done $0x0  }
0x57: {  	s24 =	rddreg [dreg:$0xf];
	[sflag:s22] =	ssyncadd.s32 $0xFFFFFF80  }
0x58: {  	[tilespmem:s31], [sflag:$0x9] =	stream.linear.gather [hbm4b:s24+s15], $0x80, $0x38;
	[tilespmem:$0x1C400] =	vst v63  }
0x59: {  	_ =	swait.ge [sflag:s22], $0x80  }
0x5a: {  	p0 =	por $0x1, $0x1;
	[sflag:s22] =	ssyncset.done $0x0  }
0x5b: {  	s15 =	simm.s32 @!p0 $0x8;
	[sflag:s22] =	ssyncadd.s32 $0xFFFFFF80  }
0x5c: {  	[tilespmem:s0], [sflag:$0x3] =	stream.indirect.gather [spmem:s1], $0x40, s21, s26, $0xb8;
	[tilespmem:$0x1C400] =	vst v63  }
0x5d: {  	_ =	swait.ge @!p0 [sflag:s15], $0x2000  }
0x5e: {  	s16 =	sadd.s32 $0x0, s20;
	[sflag:s15] =	ssyncset.done @!p0 $0x0  }
0x5f: {  	s16 =	sadd.s32 $0x30, s16;
	[sflag:s15] =	ssyncadd.s32 @!p0 $0xFFFFE000  }
0x60: {  	[tilespmem:s4], [sflag:$0x9] =	stream.linear.gather [hbm4b:s16+s3], $0x80, $0x38;
	[tilespmem:$0x1C400] =	vst v63  }
0x61: {  	_ =	swait.ge [sflag:s22], $0x80  }
0x62: {  	s30 =	sadd.s32 $0x0, s19;
	[sflag:s22] =	ssyncset.done $0x0  }
0x63: {  	s15 =	sadd.s32 $0x30, s30;
	[sflag:s22] =	ssyncadd.s32 $0xFFFFFF80  }
0x64: {  	[tilespmem:s28], [sflag:$0x9] =	stream.linear.gather [hbm4b:s15+s3], $0x80, $0x38;
	[tilespmem:$0x1C400] =	vst v63  }
0x65: {  	_ =	swait.ge [sflag:s22], $0x80  }
0x66: {  	[sflag:s22] =	ssyncset.done $0x0  }
0x67: {  	[sflag:s22] =	ssyncadd.s32 $0xFFFFFF80  }
0x68: {  	[tilespmem:s29], [sflag:$0x4] =	stream.indirect.gather [spmem:s1], $0x40, s4, s26, $0xb8;
	[tilespmem:$0x1C400] =	vst v63  }
0x69: {  	_ =	swait.ge [sflag:s5], $0x2000  }
0x6a: {  	p0 =	por $0x0, $0x0;
	[sflag:s5] =	ssyncset.done $0x0  }
0x6b: {  	s15 =	simm.s32 @p0 $0x2;
	[sflag:s5] =	ssyncadd.s32 $0xFFFFE000  }
0x6c: {  	[spmem:s2] =	stream.indirect.scatter.add.f32 [tilespmem:s23], [sflag:$0x5], $0x40, s25, s26, $0xb8;
	[tilespmem:$0x1C400] =	vst v63  }
0x6d: {  	_ =	swait.ge @p0 [sflag:s15], $0x2000  }
0x6e: {  	s16 =	simm.s32 @p0 $0x2400;
	s17 =	simm.s32 @p0 $0x80;
	[sflag:s15] =	ssyncset.done @p0 $0x0  }
0x6f: {  	s18 =	simm.s32 @p0 $0x280;
	[sflag:s15] =	ssyncadd.s32 @p0 $0xFFFFE000;
	s15 =	simm.s32 @!p0 $0x5  }
0x70: {  	[spmem:s2] =	stream.indirect.scatter.add.f32 @p0 [tilespmem:s16], [sflag:$0x6], $0x40, s18, s17, $0xb8;
	[tilespmem:$0x1C400] =	vst v63  }
0x71: {  	_ =	swait.ge @!p0 [sflag:s15], $0x2000  }
0x72: {  	s16 =	sadd.s32 @!p0 $0x0, s20;
	s18 =	simm.s32 @!p0 $0x0;
	[sflag:s15] =	ssyncset.done @!p0 $0x0  }
0x73: {  	s17 =	sadd.s32 @!p0 $0x40, s16;
	[sflag:s15] =	ssyncadd.s32 @!p0 $0xFFFFE000;
	s15 =	simm.s32 @!p0 $0x9  }
0x74: {  	[tilespmem:s18], [sflag:$0x9] =	stream.linear.gather @!p0 [hbm4b:s17+s18], $0x80, $0x38;
	[tilespmem:$0x1C400] =	vst v63  }
0x75: {  	_ =	swait.ge @!p0 [sflag:s15], $0x80  }
0x76: {  	s17 =	sadd.s32 @!p0 $0x0, s19;
	[sflag:s15] =	ssyncset.done @!p0 $0x0  }
0x77: {  	s24 =	simm.s32 @!p0 $0x200;
	s21 =	sadd.s32 @!p0 $0x40, s17;
	[sflag:s15] =	ssyncadd.s32 @!p0 $0xFFFFFF80  }
0x78: {  	[tilespmem:s24], [sflag:$0x9] =	stream.linear.gather @!p0 [hbm4b:s21+s18], $0x80, $0x38;
	[tilespmem:$0x1C400] =	vst v63  }
0x79: {  	_ =	swait.ge @!p0 [sflag:s15], $0x80  }
0x7a: {  	s30 =	simm.s32 @!p0 $0x2;
	[sflag:s15] =	ssyncset.done @!p0 $0x0  }
0x7b: {  	s21 =	simm.s32 @!p0 $0x80;
	s24 =	simm.s32 @!p0 $0x400;
	[sflag:s15] =	ssyncadd.s32 @!p0 $0xFFFFFF80  }
0x7c: {  	[tilespmem:s24], [sflag:$0x1] =	stream.indirect.gather @!p0 [spmem:s1], $0x40, s18, s21, $0xb8;
	[tilespmem:$0x1C400] =	vst v63  }
0x7d: {  	_ =	swait.ge @!p0 [sflag:s30], $0x2000  }
0x7e: {  	s10 =	simm.s32 @!p0 $0x2400;
	[sflag:s30] =	ssyncset.done @!p0 $0x0  }
0x7f: {  	s24 =	simm.s32 @!p0 $0x280;
	[sflag:s30] =	ssyncadd.s32 @!p0 $0xFFFFE000;
	s30 =	simm.s32 @!p0 $0x6  }
0x80: {  	[spmem:s2] =	stream.indirect.scatter.add.f32 @!p0 [tilespmem:s10], [sflag:$0x6], $0x40, s24, s21, $0xb8;
	[tilespmem:$0x1C400] =	vst v63  }
0x81: {  	_ =	swait.ge @!p0 [sflag:s30], $0x2000  }
0x82: {  	[sflag:s30] =	ssyncset.done @!p0 $0x0  }
0x83: {  	[sflag:s30] =	ssyncadd.s32 @!p0 $0xFFFFE000;
	s30 =	sadd.s32 @!p0 $0x50, s16  }
0x84: {  	[tilespmem:s21], [sflag:$0x9] =	stream.linear.gather @!p0 [hbm4b:s30+s18], $0x80, $0x38;
	[tilespmem:$0x1C400] =	vst v63  }
0x85: {  	_ =	swait.ge @!p0 [sflag:s15], $0x80  }
0x86: {  	[sflag:s15] =	ssyncset.done @!p0 $0x0  }
0x87: {  	s30 =	sadd.s32 @!p0 $0x50, s17;
	[sflag:s15] =	ssyncadd.s32 @!p0 $0xFFFFFF80  }
0x88: {  	[tilespmem:s24], [sflag:$0x9] =	stream.linear.gather @!p0 [hbm4b:s30+s18], $0x80, $0x38;
	[tilespmem:$0x1C400] =	vst v63  }
0x89: {  	_ =	swait.ge @!p0 [sflag:s15], $0x80  }
0x8a: {  	[sflag:s15] =	ssyncset.done @!p0 $0x0  }
0x8b: {  	[sflag:s15] =	ssyncadd.s32 @!p0 $0xFFFFFF80  }
0x8c: {  	[tilespmem:s10], [sflag:$0x2] =	stream.indirect.gather @!p0 [spmem:s1], $0x40, s21, s21, $0xb8;
	[tilespmem:$0x1C400] =	vst v63  }
0x8d: {  	_ =	swait.ge [sflag:s8], $0x2000  }
0x8e: {  	[sflag:s8] =	ssyncset.done $0x0  }
0x8f: {  	s10 =	simm.s32 @!p0 $0x7;
	[sflag:s8] =	ssyncadd.s32 $0xFFFFE000  }
0x90: {  	[spmem:s2] =	stream.indirect.scatter.add.f32 [tilespmem:s0], [sflag:$0x7], $0x40, s31, s26, $0xb8;
	[tilespmem:$0x1C400] =	vst v63  }
0x91: {  	_ =	swait.ge @!p0 [sflag:s10], $0x2000  }
0x92: {  	[sflag:s10] =	ssyncset.done @!p0 $0x0  }
0x93: {  	s16 =	sadd.s32 @!p0 $0x60, s16;
	[sflag:s10] =	ssyncadd.s32 @!p0 $0xFFFFE000;
	s10 =	simm.s32 @!p0 $0x100  }
0x94: {  	[tilespmem:s10], [sflag:$0x9] =	stream.linear.gather @!p0 [hbm4b:s16+s18], $0x80, $0x38;
	[tilespmem:$0x1C400] =	vst v63  }
0x95: {  	_ =	swait.ge @!p0 [sflag:s15], $0x80  }
0x96: {  	[sflag:s15] =	ssyncset.done @!p0 $0x0  }
0x97: {  	s16 =	sadd.s32 @!p0 $0x60, s17;
	s17 =	simm.s32 @!p0 $0x300;
	[sflag:s15] =	ssyncadd.s32 @!p0 $0xFFFFFF80  }
0x98: {  	[tilespmem:s17], [sflag:$0x9] =	stream.linear.gather @!p0 [hbm4b:s16+s18], $0x80, $0x38;
	[tilespmem:$0x1C400] =	vst v63  }
0x99: {  	_ =	swait.ge @!p0 [sflag:s15], $0x80  }
0x9a: {  	[sflag:s15] =	ssyncset.done @!p0 $0x0  }
0x9b: {  	p1 =	por $0x0, $0x0;
	[sflag:s15] =	ssyncadd.s32 @!p0 $0xFFFFFF80;
	s15 =	simm.s32 @!p0 $0x4400  }
0x9c: {  	[tilespmem:s15], [sflag:$0x3] =	stream.indirect.gather @!p0 [spmem:s1], $0x40, s10, s21, $0xb8;
	[tilespmem:$0x1C400] =	vst v63  }
0x9d: {  	s16 =	simm.s32 $0x80;
	s15 =	simm.s32 $0x40;
	_ =	swait.ge [sflag:s9], $0x2000  }
.LBB2_4:
0x9e: {  	s10 =	simm.s32 @!p1 $0x8  }
0x9f: {  	[sflag:s9] =	ssyncset.done $0x0;
	s21 =	smov.u32 s16;
	s16 =	sadd.s32 $0x40, s16  }
0xa0: {  	p0 =	sne.s32 s16, $0xA00;
	[sflag:s9] =	ssyncadd.s32 $0xFFFFE000  }
0xa1: {  	[spmem:s2] =	stream.indirect.scatter.add.f32 [tilespmem:s29], [sflag:$0x8], $0x40, s28, s26, $0xb8;
	[tilespmem:$0x1C400] =	vst v63  }
0xa2: {  	s17 =	sadd.s32 s15, s20;
	_ =	swait.ge @!p1 [sflag:s10], $0x2000  }
0xa3: {  	s17 =	sadd.s32 $0x30, s17;
	[sflag:s10] =	ssyncset.done @!p1 $0x0  }
0xa4: {  	[sflag:s10] =	ssyncadd.s32 @!p1 $0xFFFFE000  }
0xa5: {  	[tilespmem:s4], [sflag:$0x9] =	stream.linear.gather [hbm4b:s17+s3], $0x80, $0x38;
	[tilespmem:$0x1C400] =	vst v63  }
0xa6: {  	s10 =	sadd.s32 s15, s19;
	_ =	swait.ge [sflag:s22], $0x80  }
0xa7: {  	s10 =	sadd.s32 $0x30, s10;
	[sflag:s22] =	ssyncset.done $0x0  }
0xa8: {  	[sflag:s22] =	ssyncadd.s32 $0xFFFFFF80  }
0xa9: {  	[tilespmem:s28], [sflag:$0x9] =	stream.linear.gather [hbm4b:s10+s3], $0x80, $0x38;
	[tilespmem:$0x1C400] =	vst v63  }
0xaa: {  	_ =	swait.ge [sflag:s22], $0x80  }
0xab: {  	[sflag:s22] =	ssyncset.done $0x0  }
0xac: {  	[sflag:s22] =	ssyncadd.s32 $0xFFFFFF80  }
0xad: {  	[tilespmem:s29], [sflag:$0x4] =	stream.indirect.gather [spmem:s1], $0x40, s4, s26, $0xb8;
	[tilespmem:$0x1C400] =	vst v63  }
0xae: {  	_ =	swait.ge [sflag:s5], $0x2000  }
0xaf: {  	p1 =	seq.s32 s15, $0x9C0;
	[sflag:s5] =	ssyncset.done $0x0  }
0xb0: {  	s24 =	sadd.s32 @!p1 s15, s20;
	s10 =	simm.s32 @p1 $0x2;
	[sflag:s5] =	ssyncadd.s32 $0xFFFFE000  }
0xb1: {  	[spmem:s2] =	stream.indirect.scatter.add.f32 [tilespmem:s23], [sflag:$0x5], $0x40, s25, s26, $0xb8;
	[tilespmem:$0x1C400] =	vst v63  }
0xb2: {  	s17 =	simm.s32 @p1 $0x2400;
	s30 =	sadd.s32 @!p1 $0x40, s24;
	_ =	swait.ge @p1 [sflag:s10], $0x2000  }
0xb3: {  	s18 =	simm.s32 @p1 $0x80;
	s11 =	simm.s32 @p1 $0x280;
	[sflag:s10] =	ssyncset.done @p1 $0x0  }
0xb4: {  	s15 =	sadd.s32 @!p1 s15, s19;
	[sflag:s10] =	ssyncadd.s32 @p1 $0xFFFFE000;
	s10 =	simm.s32 @!p1 $0x5  }
0xb5: {  	[spmem:s2] =	stream.indirect.scatter.add.f32 @p1 [tilespmem:s17], [sflag:$0x6], $0x40, s11, s18, $0xb8;
	[tilespmem:$0x1C400] =	vst v63  }
0xb6: {  	s12 =	sadd.s32 @!p1 $0x50, s24;
	s11 =	sadd.s32 @!p1 $0x40, s15;
	_ =	swait.ge @!p1 [sflag:s10], $0x2000  }
0xb7: {  	s13 =	sadd.s32 @!p1 $0x50, s15;
	s18 =	simm.s32 @!p1 $0x0;
	[sflag:s10] =	ssyncset.done @!p1 $0x0  }
0xb8: {  	s24 =	sadd.s32 @!p1 $0x60, s24;
	s17 =	simm.s32 @!p1 $0x9;
	[sflag:s10] =	ssyncadd.s32 @!p1 $0xFFFFE000  }
0xb9: {  	[tilespmem:s18], [sflag:$0x9] =	stream.linear.gather @!p1 [hbm4b:s30+s18], $0x80, $0x38;
	[tilespmem:$0x1C400] =	vst v63  }
0xba: {  	s30 =	sadd.s32 @!p1 $0x60, s15;
	s15 =	smov.u32 s21;
	_ =	swait.ge @!p1 [sflag:s17], $0x80  }
0xbb: {  	s10 =	simm.s32 @!p1 $0x200;
	[sflag:s17] =	ssyncset.done @!p1 $0x0  }
0xbc: {  	[sflag:s17] =	ssyncadd.s32 @!p1 $0xFFFFFF80  }
0xbd: {  	[tilespmem:s10], [sflag:$0x9] =	stream.linear.gather @!p1 [hbm4b:s11+s18], $0x80, $0x38;
	[tilespmem:$0x1C400] =	vst v63  }
0xbe: {  	_ =	swait.ge @!p1 [sflag:s17], $0x80  }
0xbf: {  	s21 =	simm.s32 @!p1 $0x80;
	s10 =	simm.s32 @!p1 $0x400;
	[sflag:s17] =	ssyncset.done @!p1 $0x0  }
0xc0: {  	s11 =	simm.s32 @!p1 $0x2;
	[sflag:s17] =	ssyncadd.s32 @!p1 $0xFFFFFF80  }
0xc1: {  	[tilespmem:s10], [sflag:$0x1] =	stream.indirect.gather @!p1 [spmem:s1], $0x40, s18, s21, $0xb8;
	[tilespmem:$0x1C400] =	vst v63  }
0xc2: {  	_ =	swait.ge @!p1 [sflag:s11], $0x2000  }
0xc3: {  	s6 =	simm.s32 @!p1 $0x2400;
	s10 =	simm.s32 @!p1 $0x280;
	[sflag:s11] =	ssyncset.done @!p1 $0x0  }
0xc4: {  	[sflag:s11] =	ssyncadd.s32 @!p1 $0xFFFFE000;
	s11 =	simm.s32 @!p1 $0x6  }
0xc5: {  	[spmem:s2] =	stream.indirect.scatter.add.f32 @!p1 [tilespmem:s6], [sflag:$0x6], $0x40, s10, s21, $0xb8;
	[tilespmem:$0x1C400] =	vst v63  }
0xc6: {  	_ =	swait.ge @!p1 [sflag:s11], $0x2000  }
0xc7: {  	[sflag:s11] =	ssyncset.done @!p1 $0x0  }
0xc8: {  	[sflag:s11] =	ssyncadd.s32 @!p1 $0xFFFFE000  }
0xc9: {  	[tilespmem:s21], [sflag:$0x9] =	stream.linear.gather @!p1 [hbm4b:s12+s18], $0x80, $0x38;
	[tilespmem:$0x1C400] =	vst v63  }
0xca: {  	_ =	swait.ge @!p1 [sflag:s17], $0x80  }
0xcb: {  	[sflag:s17] =	ssyncset.done @!p1 $0x0  }
0xcc: {  	[sflag:s17] =	ssyncadd.s32 @!p1 $0xFFFFFF80  }
0xcd: {  	[tilespmem:s10], [sflag:$0x9] =	stream.linear.gather @!p1 [hbm4b:s13+s18], $0x80, $0x38;
	[tilespmem:$0x1C400] =	vst v63  }
0xce: {  	_ =	swait.ge @!p1 [sflag:s17], $0x80  }
0xcf: {  	[sflag:s17] =	ssyncset.done @!p1 $0x0  }
0xd0: {  	[sflag:s17] =	ssyncadd.s32 @!p1 $0xFFFFFF80  }
0xd1: {  	[tilespmem:s6], [sflag:$0x2] =	stream.indirect.gather @!p1 [spmem:s1], $0x40, s21, s21, $0xb8;
	[tilespmem:$0x1C400] =	vst v63  }
0xd2: {  	_ =	swait.ge [sflag:s8], $0x2000  }
0xd3: {  	[sflag:s8] =	ssyncset.done $0x0  }
0xd4: {  	s6 =	simm.s32 @!p1 $0x7;
	[sflag:s8] =	ssyncadd.s32 $0xFFFFE000  }
0xd5: {  	[spmem:s2] =	stream.indirect.scatter.add.f32 [tilespmem:s0], [sflag:$0x7], $0x40, s31, s26, $0xb8;
	[tilespmem:$0x1C400] =	vst v63  }
0xd6: {  	_ =	swait.ge @!p1 [sflag:s6], $0x2000  }
0xd7: {  	s10 =	simm.s32 @!p1 $0x100;
	[sflag:s6] =	ssyncset.done @!p1 $0x0  }
0xd8: {  	[sflag:s6] =	ssyncadd.s32 @!p1 $0xFFFFE000  }
0xd9: {  	[tilespmem:s10], [sflag:$0x9] =	stream.linear.gather @!p1 [hbm4b:s24+s18], $0x80, $0x38;
	[tilespmem:$0x1C400] =	vst v63  }
0xda: {  	_ =	swait.ge @!p1 [sflag:s17], $0x80  }
0xdb: {  	s6 =	simm.s32 @!p1 $0x300;
	[sflag:s17] =	ssyncset.done @!p1 $0x0  }
0xdc: {  	[sflag:s17] =	ssyncadd.s32 @!p1 $0xFFFFFF80  }
0xdd: {  	[tilespmem:s6], [sflag:$0x9] =	stream.linear.gather @!p1 [hbm4b:s30+s18], $0x80, $0x38;
	[tilespmem:$0x1C400] =	vst v63  }
.Ltmp1:
0xde: {  	_ =	swait.ge @!p1 [sflag:s17], $0x80;
	(pc) =	sbr.rel @p0 .LBB2_4-.Ltmp1, $4  }
0xdf: {  	s6 =	simm.s32 @!p1 $0x4400;
	[sflag:s17] =	ssyncset.done @!p1 $0x0  }
0xe0: {  	[sflag:s17] =	ssyncadd.s32 @!p1 $0xFFFFFF80  }
0xe1: {  	[tilespmem:s6], [sflag:$0x3] =	stream.indirect.gather @!p1 [spmem:s1], $0x40, s10, s21, $0xb8;
	[tilespmem:$0x1C400] =	vst v63  }
0xe2: {  	p1 =	seq.s32 s15, $0x0;
	_ =	swait.ge [sflag:s9], $0x2000  }
0xe3: {  	[sflag:s9] =	ssyncset.done $0x0  }
0xe4: {  	s6 =	simm.s32 @!p1 $0x8;
	[sflag:s9] =	ssyncadd.s32 $0xFFFFE000  }
0xe5: {  	[spmem:s2] =	stream.indirect.scatter.add.f32 [tilespmem:s29], [sflag:$0x8], $0x40, s28, s26, $0xb8;
	[tilespmem:$0x1C400] =	vst v63  }
0xe6: {  	_ =	swait.ge @!p1 [sflag:s6], $0x2000  }
0xe7: {  	s10 =	sadd.s32 s15, s20;
	[sflag:s6] =	ssyncset.done @!p1 $0x0  }
0xe8: {  	s10 =	sadd.s32 $0x30, s10;
	[sflag:s6] =	ssyncadd.s32 @!p1 $0xFFFFE000  }
0xe9: {  	[tilespmem:s4], [sflag:$0x9] =	stream.linear.gather [hbm4b:s10+s3], $0x80, $0x38;
	[tilespmem:$0x1C400] =	vst v63  }
0xea: {  	_ =	swait.ge [sflag:s22], $0x80  }
0xeb: {  	s12 =	sadd.s32 s15, s19;
	[sflag:s22] =	ssyncset.done $0x0  }
0xec: {  	s6 =	sadd.s32 $0x30, s12;
	[sflag:s22] =	ssyncadd.s32 $0xFFFFFF80  }
0xed: {  	[tilespmem:s28], [sflag:$0x9] =	stream.linear.gather [hbm4b:s6+s3], $0x80, $0x38;
	[tilespmem:$0x1C400] =	vst v63  }
0xee: {  	_ =	swait.ge [sflag:s22], $0x80  }
0xef: {  	[sflag:s22] =	ssyncset.done $0x0  }
0xf0: {  	[sflag:s22] =	ssyncadd.s32 $0xFFFFFF80  }
0xf1: {  	[tilespmem:s29], [sflag:$0x4] =	stream.indirect.gather [spmem:s1], $0x40, s4, s26, $0xb8;
	[tilespmem:$0x1C400] =	vst v63  }
0xf2: {  	_ =	swait.ge [sflag:s5], $0x2000  }
0xf3: {  	p0 =	seq.s32 s15, $0x9C0;
	[sflag:s5] =	ssyncset.done $0x0  }
0xf4: {  	s6 =	simm.s32 @p0 $0x2;
	[sflag:s5] =	ssyncadd.s32 $0xFFFFE000  }
0xf5: {  	[spmem:s2] =	stream.indirect.scatter.add.f32 [tilespmem:s23], [sflag:$0x5], $0x40, s25, s26, $0xb8;
	[tilespmem:$0x1C400] =	vst v63  }
0xf6: {  	_ =	swait.ge @p0 [sflag:s6], $0x2000  }
0xf7: {  	s11 =	simm.s32 @p0 $0x80;
	s12 =	simm.s32 @p0 $0x280;
	[sflag:s6] =	ssyncset.done @p0 $0x0  }
0xf8: {  	s10 =	simm.s32 @p0 $0x2400;
	[sflag:s6] =	ssyncadd.s32 @p0 $0xFFFFE000;
	s6 =	simm.s32 @!p0 $0x5  }
0xf9: {  	[spmem:s2] =	stream.indirect.scatter.add.f32 @p0 [tilespmem:s10], [sflag:$0x6], $0x40, s12, s11, $0xb8;
	[tilespmem:$0x1C400] =	vst v63  }
0xfa: {  	_ =	swait.ge @!p0 [sflag:s6], $0x2000  }
0xfb: {  	s10 =	sadd.s32 @!p0 s15, s20;
	s12 =	simm.s32 @!p0 $0x0;
	[sflag:s6] =	ssyncset.done @!p0 $0x0  }
0xfc: {  	s11 =	sadd.s32 @!p0 $0x40, s10;
	[sflag:s6] =	ssyncadd.s32 @!p0 $0xFFFFE000;
	s6 =	simm.s32 @!p0 $0x9  }
0xfd: {  	[tilespmem:s12], [sflag:$0x9] =	stream.linear.gather @!p0 [hbm4b:s11+s12], $0x80, $0x38;
	[tilespmem:$0x1C400] =	vst v63  }
0xfe: {  	_ =	swait.ge @!p0 [sflag:s6], $0x80  }
0xff: {  	s11 =	sadd.s32 @!p0 s15, s19;
	[sflag:s6] =	ssyncset.done @!p0 $0x0  }
0x100: {  	s15 =	simm.s32 @!p0 $0x200;
	s13 =	sadd.s32 @!p0 $0x40, s11;
	[sflag:s6] =	ssyncadd.s32 @!p0 $0xFFFFFF80  }
0x101: {  	[tilespmem:s15], [sflag:$0x9] =	stream.linear.gather @!p0 [hbm4b:s13+s12], $0x80, $0x38;
	[tilespmem:$0x1C400] =	vst v63  }
0x102: {  	_ =	swait.ge @!p0 [sflag:s6], $0x80  }
0x103: {  	s16 =	simm.s32 @!p0 $0x2;
	[sflag:s6] =	ssyncset.done @!p0 $0x0  }
0x104: {  	s13 =	simm.s32 @!p0 $0x80;
	s15 =	simm.s32 @!p0 $0x400;
	[sflag:s6] =	ssyncadd.s32 @!p0 $0xFFFFFF80  }
0x105: {  	[tilespmem:s15], [sflag:$0x1] =	stream.indirect.gather @!p0 [spmem:s1], $0x40, s12, s13, $0xb8;
	[tilespmem:$0x1C400] =	vst v63  }
0x106: {  	_ =	swait.ge @!p0 [sflag:s16], $0x2000  }
0x107: {  	s17 =	simm.s32 @!p0 $0x2400;
	[sflag:s16] =	ssyncset.done @!p0 $0x0  }
0x108: {  	s15 =	simm.s32 @!p0 $0x280;
	[sflag:s16] =	ssyncadd.s32 @!p0 $0xFFFFE000;
	s16 =	simm.s32 @!p0 $0x6  }
0x109: {  	[spmem:s2] =	stream.indirect.scatter.add.f32 @!p0 [tilespmem:s17], [sflag:$0x6], $0x40, s15, s13, $0xb8;
	[tilespmem:$0x1C400] =	vst v63  }
0x10a: {  	_ =	swait.ge @!p0 [sflag:s16], $0x2000  }
0x10b: {  	[sflag:s16] =	ssyncset.done @!p0 $0x0  }
0x10c: {  	[sflag:s16] =	ssyncadd.s32 @!p0 $0xFFFFE000;
	s16 =	sadd.s32 @!p0 $0x50, s10  }
0x10d: {  	[tilespmem:s13], [sflag:$0x9] =	stream.linear.gather @!p0 [hbm4b:s16+s12], $0x80, $0x38;
	[tilespmem:$0x1C400] =	vst v63  }
0x10e: {  	_ =	swait.ge @!p0 [sflag:s6], $0x80  }
0x10f: {  	[sflag:s6] =	ssyncset.done @!p0 $0x0  }
0x110: {  	s16 =	sadd.s32 @!p0 $0x50, s11;
	[sflag:s6] =	ssyncadd.s32 @!p0 $0xFFFFFF80  }
0x111: {  	[tilespmem:s15], [sflag:$0x9] =	stream.linear.gather @!p0 [hbm4b:s16+s12], $0x80, $0x38;
	[tilespmem:$0x1C400] =	vst v63  }
0x112: {  	_ =	swait.ge @!p0 [sflag:s6], $0x80  }
0x113: {  	[sflag:s6] =	ssyncset.done @!p0 $0x0  }
0x114: {  	[sflag:s6] =	ssyncadd.s32 @!p0 $0xFFFFFF80  }
0x115: {  	[tilespmem:s17], [sflag:$0x2] =	stream.indirect.gather @!p0 [spmem:s1], $0x40, s13, s13, $0xb8;
	[tilespmem:$0x1C400] =	vst v63  }
0x116: {  	_ =	swait.ge [sflag:s8], $0x2000  }
0x117: {  	[sflag:s8] =	ssyncset.done $0x0  }
0x118: {  	s15 =	simm.s32 @!p0 $0x7;
	[sflag:s8] =	ssyncadd.s32 $0xFFFFE000  }
0x119: {  	[spmem:s2] =	stream.indirect.scatter.add.f32 [tilespmem:s0], [sflag:$0x7], $0x40, s31, s26, $0xb8;
	[tilespmem:$0x1C400] =	vst v63  }
0x11a: {  	_ =	swait.ge @!p0 [sflag:s15], $0x2000  }
0x11b: {  	[sflag:s15] =	ssyncset.done @!p0 $0x0  }
0x11c: {  	s10 =	sadd.s32 @!p0 $0x60, s10;
	[sflag:s15] =	ssyncadd.s32 @!p0 $0xFFFFE000;
	s15 =	simm.s32 @!p0 $0x100  }
0x11d: {  	[tilespmem:s15], [sflag:$0x9] =	stream.linear.gather @!p0 [hbm4b:s10+s12], $0x80, $0x38;
	[tilespmem:$0x1C400] =	vst v63  }
0x11e: {  	_ =	swait.ge @!p0 [sflag:s6], $0x80  }
0x11f: {  	[sflag:s6] =	ssyncset.done @!p0 $0x0  }
0x120: {  	s10 =	sadd.s32 @!p0 $0x60, s11;
	s11 =	simm.s32 @!p0 $0x300;
	[sflag:s6] =	ssyncadd.s32 @!p0 $0xFFFFFF80  }
0x121: {  	[tilespmem:s11], [sflag:$0x9] =	stream.linear.gather @!p0 [hbm4b:s10+s12], $0x80, $0x38;
	[tilespmem:$0x1C400] =	vst v63  }
0x122: {  	_ =	swait.ge @!p0 [sflag:s6], $0x80  }
0x123: {  	[sflag:s6] =	ssyncset.done @!p0 $0x0  }
0x124: {  	[sflag:s6] =	ssyncadd.s32 @!p0 $0xFFFFFF80;
	s6 =	simm.s32 @!p0 $0x4400  }
0x125: {  	[tilespmem:s6], [sflag:$0x3] =	stream.indirect.gather @!p0 [spmem:s1], $0x40, s15, s13, $0xb8;
	[tilespmem:$0x1C400] =	vst v63  }
0x126: {  	_ =	swait.ge [sflag:s9], $0x2000  }
0x127: {  	[sflag:s9] =	ssyncset.done $0x0  }
0x128: {  	s13 =	simm.s32 $0x5;
	[sflag:s9] =	ssyncadd.s32 $0xFFFFE000  }
0x129: {  	[spmem:s2] =	stream.indirect.scatter.add.f32 [tilespmem:s29], [sflag:$0x8], $0x40, s28, s26, $0xb8;
	[tilespmem:$0x1C400] =	vst v63  }
0x12a: {  	_ =	swait.ge [sflag:s13], $0x2000  }
0x12b: {  	[sflag:s13] =	ssyncset.done $0x0  }
0x12c: {  	s15 =	simm.s32 $0x6;
	[sflag:s13] =	ssyncadd.s32 $0xFFFFE000  }
0x12d: {  	_ =	swait.ge [sflag:s15], $0x2000  }
0x12e: {  	[sflag:s15] =	ssyncset.done $0x0  }
0x12f: {  	s16 =	simm.s32 $0x7;
	[sflag:s15] =	ssyncadd.s32 $0xFFFFE000  }
0x130: {  	_ =	swait.ge [sflag:s16], $0x2000  }
0x131: {  	[sflag:s16] =	ssyncset.done $0x0  }
0x132: {  	s17 =	simm.s32 $0x8;
	[sflag:s16] =	ssyncadd.s32 $0xFFFFE000  }
0x133: {  	_ =	swait.ge [sflag:s17], $0x2000  }
0x134: {  	[sflag:s17] =	ssyncset.done $0x0  }
0x135: {  	[sflag:s17] =	ssyncadd.s32 $0xFFFFE000  }
0x136: {  	[bflag:$0x0] =	sbarrier.arrive $0xFFFF  }
0x137: {  	s15 =	rddreg [dreg:$0x5]  }
0x138: {  	s18 =	sshrl.u32 s7, $0x3;
	s24 =	rddreg [dreg:$0x12]  }
0x139: {  	[hbm:s24], [sflag:s15] =	dma.local [spmem:s18], $0x1400  }
0x13a: {  	_ =	swait.ge [sflag:s22], $0x1400  }
0x13b: {  	s14 =	sadd.s32 $0x1, s14;
	s30 =	rddreg [dreg:$0x10]  }
0x13c: {  	p0 =	sne.s32 s14, s30  }
.Ltmp2:
0x13d: {  	_ = 	snop;
	(pc) =	sbr.rel @p0 .LBB2_1-.Ltmp2, $3  }
0x13e: {  	_ =	sdelay $0x1  }
0x13f: {  	[sflag:s22] =	ssyncset.done $0x0  }
0x140: {  	s21 =	smov.u32 s7;
	[sflag:s22] =	ssyncadd.s32 $0xFFFFEC00  }
0x141: {  	_ =	sfence.sel $0x180000  }
0x142: {  	[bflag:$0x0] =	sbarrier.arrive $0xFFFF  }
0x143: {  	_ =	strace $0x9000004A  }
0x144: {  	s0 =	stileid.u32;
	[bflag:$0x2] =	sbarrier.arrive $0xFFFF  }
0x145: {  	p0 =	sne.s32 s0, $0x0;
	s0 =	rddreg [dreg:$0x3]  }
0x146: {  	s0 =	sadd.s32 @!p0 $0x100000, s0  }
0x147: {  	[sflag:s0] =	ssyncadd.tile.s32 @!p0 $0x1;
	_ =	shalt  }
.Lfunc_end2:
_tile_overlayer_lowered:
.L_overlay_start_2:
0x148: {  	(tag) =	ssettag $0x2  }
0x149: {  	s0 =	rddreg [dreg:$0x0];
	s2 =	stileid.u32  }
0x14a: {  	s1 =	rddreg [dreg:$0x1];
	p0 =	sne.s32 s2, $0x0  }
0x14b: {  	s3 =	rddreg [dreg:$0x2];
	[bflag:$0x3] =	sbarrier.arrive $0xFFFF;
	s2 =	simm.s32 @!p0 $0x1C09  }
0x14c: {  	[timem:s3], [sflag:s2] =	dma.local @!p0 [hbm:s0], s1  }
0x14d: {  	s0 =	simm.s32 @!p0 $0x9  }
0x14e: {  	_ =	swait.ge @!p0 [sflag:s0], s1  }
0x14f: {  	s1 =	ssub.s32 @!p0 $0x0, s1;
	[sflag:s0] =	ssyncset.done @!p0 $0x0  }
0x150: {  	[sflag:s0] =	ssyncadd.s32 @!p0 s1  }
0x151: {  	[bflag:$0x3] =	sbarrier.arrive $0xFFFF  }
0x152: {  	_ =	shalt  }

// kernel: kernel.8.cloned.1.call-start
scs
__scs_entry_jumppad:
0x0: {  	(pc) =	sbr.rel $0x88, $3  }
0x1: {  	(tag) =	ssettag $0x0;
	lr =	simm.s32 $0x1  }
0x2: {  	[smem:$0x3F96] =	sst lr;
	_ =	strace $0xD0000000  }
0x3: {  	_ = 	snop  }
0x4: {  	_ = 	snop  }
0x5: {  	_ = 	snop  }
0x6: {  	_ = 	snop  }
0x7: {  	_ = 	snop  }
__scs_overlays_trampoline_lowered:
0x8: {  	[smem:$0x3FA5] =	sst s0  }
0x9: {  	[smem:$0x3FA6] =	sst s1  }
0xa: {  	[smem:$0x3FA7] =	sst s2  }
0xb: {  	[smem:$0x3FA8] =	sst s3  }
0xc: {  	[smem:$0x3FA9] =	sst s4  }
0xd: {  	[smem:$0x3FAA] =	sst s5  }
0xe: {  	[smem:$0x3FAB] =	sst s6  }
0xf: {  	[smem:$0x3FAC] =	sst s7  }
0x10: {  	[smem:$0x3FAD] =	sst s8  }
0x11: {  	[smem:$0x3FAE] =	sst s9;
	s0 =	simm.s32 @!p0 $0x0  }
0x12: {  	s1 =	sld [smem:$0x3F94];
	s0 =	simm.s32 @p0 $0x1  }
0x13: {  	[smem:$0x3FAF] =	sst s0;
	s0 =	simm.s32 @!p1 $0x0  }
0x14: {  	s2 =	sld [smem:$0x3F93];
	s0 =	simm.s32 @p1 $0x1  }
0x15: {  	[smem:$0x3FB0] =	sst s0;
	s0 =	simm.s32 @!p2 $0x0  }
0x16: {  	s3 =	sld [smem:$0x3FDB];
	s0 =	simm.s32 @p2 $0x1  }
0x17: {  	s4 =	simm.s32 $0x1BF5;
	[smem:$0x3FB2] =	sst s0  }
0x18: {  	s0 =	sld [smem:$0x3F95];
	_ =	swait.ge [sflag:s4], $0x0  }
0x19: {  	s7 =	sld [smem:$0x3F96]  }
0x1a: {  	s8 =	sadd.s32 $0xFFFFE003, lr  }
0x1b: {  	s9 =	sadd.s32 $0xFFFFFEF7, lr;
	s5 =	simm.s32 $0xFFFFFFFF;
	p2 =	slt.u32 s8, $0xFFFFF086  }
0x1c: {  	p1 =	slt.u32 s9, $0xF7A;
	s5 =	simm.s32 @!p2 $0x0  }
0x1d: {  	s5 =	simm.s32 @p1 $0x1;
	p0 =	seq.s32 s7, s2  }
0x1e: {  	s7 =	smul.u32 @!p0 $0xF7A, s2;
	p2 =	seq.s32 @!p0 s5, $0x0  }
0x1f: {  	s9 =	smul.u32 $0xF7A, s1;
	s8 =	simm.s32 @!p0 $0x1BF5;
	p2 =	por !p2, p0  }
0x20: {  	[sflag:s8] =	ssyncset.s32 @!p0 $0xFFFFF086;
	s6 =	sadd.s32 @!p0 s3, s7;
	s7 =	simm.s32 @!p0 $0x108  }
0x21: {  	s3 =	sadd.s32 s3, s9;
	s6 =	sadd.s32 @!p0 $0x88, s6;
	s7 =	simm.s32 @p2 $0x1082  }
0x22: {  	[simem:s7], [sflag:s8] =	dma.local @!p0 [hbm:s6], $0xF7A  }
0x23: {  	s9 =	sor.u32 $0xD0000000, s2;
	s6 =	simm.s32 $0x108;
	_ =	swait.ge @!p0 [sflag:s8], $0x0  }
0x24: {  	s3 =	sadd.s32 $0x88, s3;
	s6 =	simm.s32 @!p1 $0x1082;
	[sflag:s4] =	ssyncset.s32 $0xFFFFF086  }
0x25: {  	[simem:s6], [sflag:s4] =	dma.local [hbm:s3], $0xF7A  }
0x26: {  	[smem:$0x3F96] =	sst s1;
	(tag) =	ssettag s2;
	_ =	strace s9  }
0x27: {  	s1 =	sld [smem:$0x3FA6]  }
0x28: {  	s2 =	sld [smem:$0x3FA7]  }
0x29: {  	s4 =	sld [smem:$0x3FA9]  }
0x2a: {  	p0 =	seq.s32 s5, $0x0;
	s5 =	sld [smem:$0x3FAA]  }
0x2b: {  	s6 =	sld [smem:$0x3FAB]  }
0x2c: {  	s7 =	sld [smem:$0x3FAC]  }
0x2d: {  	s3 =	simm.s32 $0x108;
	s8 =	sld [smem:$0x3FAD]  }
0x2e: {  	s3 =	simm.s32 @!p0 $0x1082;
	s9 =	sld [smem:$0x3FAE]  }
0x2f: {  	lr =	sadd.s32 s0, s3;
	s0 =	sld [smem:$0x3FA5]  }
0x30: {  	s3 =	sld [smem:$0x3FA8]  }
0x31: {  	[smem:$0x3FB1] =	sst s10  }
0x32: {  	s10 =	sld [smem:$0x3FAF];
	_ =	sdelay $0x3  }
0x33: {  	p0 =	seq.s32 s10, $0x1;
	s10 =	sld [smem:$0x3FB1];
	_ =	sdelay $0x3  }
0x34: {  	[smem:$0x3FB1] =	sst s10  }
0x35: {  	s10 =	sld [smem:$0x3FB0];
	_ =	sdelay $0x3  }
0x36: {  	p1 =	seq.s32 s10, $0x1;
	s10 =	sld [smem:$0x3FB1];
	_ =	sdelay $0x3  }
0x37: {  	[smem:$0x3FB1] =	sst s10  }
0x38: {  	s10 =	sld [smem:$0x3FB2]  }
0x39: {  	_ = 	snop;
	(pc) =	sbr.ind lr, $3  }
0x3a: {  	_ = 	snop  }
0x3b: {  	_ = 	snop  }
0x3c: {  	p2 =	seq.s32 s10, $0x1;
	s10 =	sld [smem:$0x3FB1]  }
0x3d: {  	_ =	shalt  }
0x3e: {  	_ =	shalt  }
0x3f: {  	_ =	shalt  }
0x40: {  	_ =	shalt  }
0x41: {  	_ =	shalt  }
0x42: {  	_ =	shalt  }
0x43: {  	_ =	shalt  }
0x44: {  	_ =	shalt  }
0x45: {  	_ =	shalt  }
0x46: {  	_ =	shalt  }
0x47: {  	_ =	shalt  }
0x48: {  	_ =	shalt  }
0x49: {  	_ =	shalt  }
0x4a: {  	_ =	shalt  }
0x4b: {  	_ =	shalt  }
0x4c: {  	_ =	shalt  }
0x4d: {  	_ =	shalt  }
0x4e: {  	_ =	shalt  }
0x4f: {  	_ =	shalt  }
0x50: {  	_ =	shalt  }
0x51: {  	_ =	shalt  }
0x52: {  	_ =	shalt  }
0x53: {  	_ =	shalt  }
0x54: {  	_ =	shalt  }
0x55: {  	_ =	shalt  }
0x56: {  	_ =	shalt  }
0x57: {  	_ =	shalt  }
0x58: {  	_ =	shalt  }
0x59: {  	_ =	shalt  }
0x5a: {  	_ =	shalt  }
0x5b: {  	_ =	shalt  }
0x5c: {  	_ =	shalt  }
0x5d: {  	_ =	shalt  }
0x5e: {  	_ =	shalt  }
0x5f: {  	_ =	shalt  }
0x60: {  	_ =	shalt  }
0x61: {  	_ =	shalt  }
0x62: {  	_ =	shalt  }
0x63: {  	_ =	shalt  }
0x64: {  	_ =	shalt  }
0x65: {  	_ =	shalt  }
0x66: {  	_ =	shalt  }
0x67: {  	_ =	shalt  }
0x68: {  	_ =	shalt  }
0x69: {  	_ =	shalt  }
0x6a: {  	_ =	shalt  }
0x6b: {  	_ =	shalt  }
0x6c: {  	_ =	shalt  }
0x6d: {  	_ =	shalt  }
0x6e: {  	_ =	shalt  }
0x6f: {  	_ =	shalt  }
0x70: {  	_ =	shalt  }
0x71: {  	_ =	shalt  }
0x72: {  	_ =	shalt  }
0x73: {  	_ =	shalt  }
0x74: {  	_ =	shalt  }
0x75: {  	_ =	shalt  }
0x76: {  	_ =	shalt  }
0x77: {  	_ =	shalt  }
0x78: {  	_ =	shalt  }
0x79: {  	_ =	shalt  }
0x7a: {  	_ =	shalt  }
0x7b: {  	_ =	shalt  }
0x7c: {  	_ =	shalt  }
0x7d: {  	_ =	shalt  }
0x7e: {  	_ =	shalt  }
0x7f: {  	_ =	shalt  }
0x80: {  	_ =	shalt  }
0x81: {  	_ =	shalt  }
0x82: {  	_ =	shalt  }
0x83: {  	_ =	shalt  }
0x84: {  	_ =	shalt  }
0x85: {  	_ =	shalt  }
0x86: {  	_ =	shalt  }
0x87: {  	_ =	shalt  }
.Lfunc_end0:
.L_simem_size_0:
called_computation_lowered:
.L_overlay_start_0:
0x88: {  	s2 =	sld [smem:$0x3FD9]  }
0x89: {  	s3 =	sld [smem:$0x3FFE];
	_ =	sdelay $0x1  }
0x8a: {  	s1 =	srdreg.scid  }
0x8b: {  	s0 =	sand.u32 $0x1, s1  }
0x8c: {  	s16 =	sshll.u32 s0, $0xA;
	s2 =	sadd.s32 s3, s2  }
0x8d: {  	s2 =	sadd.s32 s2, s16  }
0x8e: {  	[smem:$0x3FBD] =	sst s2  }
0x8f: {  	_ = 	snop  }
0x90: {  	(tm) =	ssettm $0x1  }
0x91: {  	s17 =	sld [smem:$0x3FFB];
	_ =	sdelay $0x3  }
0x92: {  	_ =	strace s17  }
0x93: {  	s2 =	sld [smem:$0x3FFC];
	_ =	sdelay $0x3  }
0x94: {  	_ =	strace s2  }
0x95: {  	s2 =	sld [smem:$0x3FFD];
	_ =	sdelay $0x3  }
0x96: {  	_ =	strace s2  }
0x97: {  	_ =	strace $0x8FFFFFFF  }
0x98: {  	s18 =	sld [smem:$0x3FDB];
	_ =	sdelay $0x1  }
0x99: {  	s19 =	simm.s32 $_scs_section_size  }
0x9a: {  	s4 =	simm.s32 $_size__tile_overlayer_lowered;
	s5 =	simm.s32 $_tile_overlayer_lowered  }
0x9b: {  	s22 =	simm.s32 $0x1BFF;
	s21 =	sshll.u32 s5, $0x1;
	s2 =	sadd.s32 s19, s18  }
0x9c: {  	s6 =	simm.s32 $0x0;
	s20 =	sshll.u32 s4, $0x1;
	s4 =	sadd.s32 s21, s2  }
0x9d: {  	[timem:s6], [sflag:s22] =	dma.local [hbm:s4], s20  }
0x9e: {  	_ =	swait.ge [sflag:s22], s20  }
0x9f: {  	s3 =	ssub.s32 $0x0, s20;
	[sflag:s22] =	ssyncset.done $0x0  }
0xa0: {  	[sflag:s22] =	ssyncadd.s32 s3;
	_ =	sdelay $0x1  }
0xa1: {  	s23 =	simm.s32 $0x1B8B  }
0xa2: {  	_ =	swait.ge [sflag:s23], $0x1  }
0xa3: {  	[sflag:s23] =	ssyncset.done $0x0  }
0xa4: {  	s25 =	simm.s32 $0x1B8E;
	s24 =	sld [smem:$0x3FFE];
	[sflag:s23] =	ssyncadd.s32 $0xFFFFFFFF  }
0xa5: {  	s26 =	simm.s32 $execute0_lowered;
	[smem:$0x3FD2] =	sst s25  }
0xa6: {  	s4 =	sshll.u32 s26, $0x1;
	_ =	strace $0x80000046;
	[dreg:$0x1] =	wrdreg $0xFFFFFFFF  }
0xa7: {  	s28 =	simm.s32 $_size_execute0_lowered;
	s2 =	sadd.s32 s2, s4;
	[dreg:$0x0] =	wrdreg $0x0  }
0xa8: {  	s4 =	sshll.u32 s28, $0x1;
	[dreg:$0x2] =	wrdreg s2  }
0xa9: {  	[dreg:$0x3] =	wrdreg s4  }
0xaa: {  	[dreg:$0x4] =	wrdreg $0xC0  }
0xab: {  	_ =	task [dreg:s6], $0x5FFFF  }
0xac: {  	[dreg:$0x1] =	wrdreg $0xFFFFFFFF  }
0xad: {  	[dreg:$0x0] =	wrdreg $0x60  }
0xae: {  	[dreg:$0x2] =	wrdreg s24  }
0xaf: {  	[dreg:$0x3] =	wrdreg $0x9  }
0xb0: {  	_ =	task.clear_ibuf [dreg:s6], $0x4FFFF;
	_ =	strace $0x90000046  }
0xb1: {  	s29 =	simm.s32 $0x9;
	_ =	strace $0x80000048  }
0xb2: {  	_ =	swait.ge [sflag:s29], $0x1  }
0xb3: {  	[sflag:s29] =	ssyncadd.s32 $0xFFFFFFFF  }
0xb4: {  	_ =	strace $0x90000048  }
0xb5: {  	_ =	sfence  }
0xb6: {  	s30 =	sld [smem:$0x0];
	_ =	sdelay $0x2  }
0xb7: {  	s31 =	sshll.u32 s1, $0xD;
	s1 =	sshrl.u32 s1, $0x2  }
0xb8: {  	s3 =	sand.u32 $0x4000, s31;
	s1 =	sadd.s32 s1, s30  }
0xb9: {  	s0 =	sor.u32 s3, s0;
	s1 =	sshll.u32 s1, $0x11  }
0xba: {  	s0 =	sor.u32 s1, s0  }
0xbb: {  	s0 =	sadd.s32 $0x8F2B, s0  }
0xbc: {  	[sflag:s0] =	ssyncadd.remote.s32 $0x1  }
0xbd: {  	_ =	sfence.sel $0xFFFF  }
0xbe: {  	[dreg:$0x0] =	wrdreg $0xFFFFFFFF;
	(pc) =	sbr.abs _section_cstart, $3  }
0xbf: {  	[dreg:$0x1] =	wrdreg $0xFFFFFFFF  }
0xc0: {  	_ =	task.clear_ibuf [dreg:s6], $0x2FFFF;
	_ =	strace $0x9FFFFFFF  }
0xc1: {  	(tm) =	ssettm $0x7FFFFFFF  }
tec
execute0_lowered:
.L_overlay_start_1:
0x0: {  	(tag) =	ssettag $0x1  }
0x1: {  	s1 =	srdreg.scid  }
0x2: {  	s0 =	stileid.u32;
	s3 =	rddreg [dreg:$0x0];
	s2 =	simm.s32 $0x0  }
0x3: {  	s4 =	sand.u32 $0x1, s1;
	s5 =	sshll.u32 s0, $0x1;
	s1 =	rddreg [dreg:$0x1]  }
0x4: {  	[smem:$0x7FF] =	sst s2;
	s7 =	sshrl.u32 s0, $0x3;
	s8 =	sshll.u32 s0, $0x7  }
0x5: {  	s5 =	sor.u32 s4, s5;
	_ =	strace $0x80000047;
	s6 =	smul.u32 $0x5000, s4  }
0x6: {  	s4 =	ssub.s32 $0x2, s4;
	s7 =	smul.u32 $0x14000, s7;
	s8 =	sand.u32 $0x380, s8  }
0x7: {  	s5 =	smul.u32 $0x500, s5;
	s9 =	sshrl.u32 s4, $0x1;
	s6 =	sadd.s32 s6, s3  }
0x8: {  	s4 =	ssub.s32 s4, s9;
	s7 =	sor.u32 s8, s7;
	s8 =	simm.s32 $0x80  }
0x9: {  	s9 =	simm.s32 $0x400;
	s5 =	sadd.s32 s5, s3;
	s31 =	sadd.s32 $0xBE00, s6  }
0xa: {  	s7 =	sshrl.u32 s7, $0x3;
	s4 =	smax.u32 s4, $0x1;
	s6 =	simm.s32 $0x2800  }
0xb: {  	v0 =	vimm.f32 $0.0e+00;
	v1 =	vimm.f32 $1.000000000e+00;
	s3 =	sadd.s32 $0x1E00, s5;
	s5 =	simm.s32 $0x1;
	s7 =	sadd.s32 s7, s31  }
.LBB2_1:
0xc: {  	s10 =	simm.s32 $0x40;
	s11 =	simm.s32 $0x0  }
.LBB2_2:
0xd: {  	p0 =	sne.s32 s10, $0x9FC0;
	[tilespmem:s11+$0x2800] =	vst v0;
	s11 =	smov.u32 s10;
	s10 =	sadd.s32 $0x40, s10  }
.Ltmp0:
0xe: {  	(pc) =	sbr.rel @p0 .LBB2_2-.Ltmp0, $2  }
0xf: {  	_ =	sdelay $0x2  }
0x10: {  	s11 =	sshra.s32 s11, $0x2  }
0x11: {  	[tilespmem:s11+$0x2800] =	vst v0;
	s10 =	simm.s32 $0x0  }
0x12: {  	[tilespmem:s10], [sflag:$0x1] =	stream.linear.gather [hbm4b:s3+s10], $0x2800, $0x38;
	[tilespmem:$0x5000] =	vst v63  }
0x13: {  	_ =	swait.ge [sflag:s5], $0x2800  }
0x14: {  	[sflag:s5] =	ssyncset.done $0x0  }
0x15: {  	s11 =	simm.s32 $0x0;
	s10 =	simm.s32 $0x40;
	[sflag:s5] =	ssyncadd.s32 $0xFFFFD800  }
.LBB2_4:
0x16: {  	p0 =	sne.s32 s10, $0x9FC0;
	v2 =	vld [tilespmem:s11+$0x0];
	_ =	sdelay $0x3  }
.Ltmp1:
0x17: {  	(pc) =	sbr.rel @p0 .LBB2_4-.Ltmp1, $2  }
0x18: {  	_ =	sdelay $0x2  }
0x19: {  	s11 =	sshra.s32 s10, $0x2;
	s10 =	sadd.s32 $0x40, s10;
	[tilespmem:v2+s6+$0x0] =	vst.idx.add.f32.msk $0xffff, v1  }
0x1a: {  	v2 =	vld [tilespmem:s11+$0x0];
	_ =	sdelay $0x5  }
0x1b: {  	s2 =	sadd.s32 $0x1, s2  }
0x1c: {  	p0 =	sne.s32 s2, s4  }
.Ltmp2:
0x1d: {  	[tilespmem:v2+s6+$0x0] =	vst.idx.add.f32.msk $0xffff, v1;
	(pc) =	sbr.rel @p0 .LBB2_1-.Ltmp2, $4  }
0x1e: {  	[hbm4b:s7+s8] =	stream.strided.scatter [tilespmem:s6], [sflag:$0x1], $0x2800, s9, s8, $0x38;
	[tilespmem:$0x5000] =	vst v63  }
0x1f: {  	_ =	swait.ge [sflag:s5], $0x2800  }
0x20: {  	[sflag:s5] =	ssyncset.done $0x0  }
0x21: {  	[sflag:s5] =	ssyncadd.s32 $0xFFFFD800  }
0x22: {  	_ =	sfence.sel $0x180000  }
0x23: {  	[bflag:$0x0] =	sbarrier.arrive $0xFFFF  }
0x24: {  	p0 =	sne.s32 s0, $0x0;
	_ =	strace $0x90000047  }
0x25: {  	s0 =	sadd.s32 @!p0 $0x100000, s1;
	[bflag:$0x2] =	sbarrier.arrive $0xFFFF  }
0x26: {  	[sflag:s0] =	ssyncadd.tile.s32 @!p0 $0x1;
	_ =	shalt  }
.Lfunc_end2:
_tile_overlayer_lowered:
.L_overlay_start_2:
0x27: {  	(tag) =	ssettag $0x2  }
0x28: {  	s0 =	rddreg [dreg:$0x0];
	s2 =	stileid.u32  }
0x29: {  	s1 =	rddreg [dreg:$0x1];
	p0 =	sne.s32 s2, $0x0  }
0x2a: {  	s3 =	rddreg [dreg:$0x2];
	[bflag:$0x3] =	sbarrier.arrive $0xFFFF;
	s2 =	simm.s32 @!p0 $0x1C01  }
0x2b: {  	[timem:s3], [sflag:s2] =	dma.local @!p0 [hbm:s0], s1  }
0x2c: {  	s0 =	simm.s32 @!p0 $0x1  }
0x2d: {  	_ =	swait.ge @!p0 [sflag:s0], s1  }
0x2e: {  	s1 =	ssub.s32 @!p0 $0x0, s1;
	[sflag:s0] =	ssyncset.done @!p0 $0x0  }
0x2f: {  	[sflag:s0] =	ssyncadd.s32 @!p0 s1  }
0x30: {  	[bflag:$0x3] =	sbarrier.arrive $0xFFFF  }
0x31: {  	_ =	shalt  }

</sc_bundles>
